<compile_context>
chip_gen: v7x
topology: tpu7x:2x2x1
jax: 0.10.2.dev20260603
libtpu: 0.0.44.dev20260713+nightly
codegen_flags: <defaults>
</compile_context>

<pallas_src>
import functools

import jax
import jax.numpy as jnp
from jax import lax
from jax.experimental import pallas as pl
from jax.experimental.pallas import tpu as pltpu

B, S, DIM = 1, 2048, 1024
NUM_EXPERTS = 8
HIDDEN = 2048
TOP_K = 2
T = B * S
TM = 128
L = T * TOP_K + NUM_EXPERTS * TM
NS = L // TM
TMB = 256


def _ffn_kernel(step_group, step_valid, scores_ref, x_ref, ids_ref, wts_ref,
                w1_ref, w3_ref, w2_ref, ys_ref, aux_ref):
    s = pl.program_id(0)

    @pl.when(s == 0)
    def _prologue():
        sc = scores_ref[...]
        m = jnp.max(sc, axis=1, keepdims=True)
        p = jnp.exp(sc - m)
        probs = p / jnp.sum(p, axis=1, keepdims=True)
        usage = jnp.mean(probs, axis=0, keepdims=True)
        aux_ref[...] = NUM_EXPERTS * jnp.sum(usage * usage, axis=1,
                                             keepdims=True)

    @pl.when(step_valid[s] != 0)
    def _body():
        ids_col = ids_ref[0]
        w_col = wts_ref[0]
        iota = lax.broadcasted_iota(jnp.int32, (TM, T), 1)
        P = (iota == ids_col).astype(jnp.bfloat16)
        xs = lax.dot_general(P, x_ref[...], (((1,), (0,)), ((), ())),
                             preferred_element_type=jnp.float32)
        xs = xs.astype(jnp.bfloat16)
        w1 = w1_ref[0]
        w3 = w3_ref[0]
        w2 = w2_ref[0]
        h1 = lax.dot_general(xs, w1, (((1,), (1,)), ((), ())),
                             preferred_element_type=jnp.float32)
        h3 = lax.dot_general(xs, w3, (((1,), (1,)), ((), ())),
                             preferred_element_type=jnp.float32)
        h = (h1 * jax.nn.sigmoid(h1) * h3).astype(jnp.bfloat16)
        y = lax.dot_general(h, w2, (((1,), (1,)), ((), ())),
                            preferred_element_type=jnp.float32)
        ys_ref[...] = (y * w_col).astype(jnp.bfloat16)

    @pl.when(step_valid[s] == 0)
    def _pad():
        ys_ref[...] = jnp.zeros_like(ys_ref)


def _combine_kernel(ys_ref, p0_ref, p1_ref, out_ref):
    p0 = p0_ref[...]
    p1 = p1_ref[...]
    iota = lax.broadcasted_iota(jnp.int32, (TMB, L), 1)
    C = ((iota == p0).astype(jnp.bfloat16) +
         (iota == p1).astype(jnp.bfloat16))
    out_ref[...] = lax.dot_general(C, ys_ref[...], (((1,), (0,)), ((), ())),
                                   preferred_element_type=jnp.float32)


@functools.partial(jax.jit, static_argnums=())
def kernel(x, Wg, W1, W2, W3):
    b, s_len, d = x.shape
    gate_scores = jnp.einsum('bsd,ed->bse', x, Wg)
    top_k_values, top_k_indices = jax.lax.top_k(gate_scores, TOP_K)
    top_k_weights = jax.nn.softmax(top_k_values, axis=-1)

    idx_flat = top_k_indices.reshape(-1).astype(jnp.int32)
    w_flat = top_k_weights.reshape(-1)

    order = jnp.argsort(idx_flat, stable=True)
    sorted_e = idx_flat[order]
    sizes = jnp.bincount(idx_flat, length=NUM_EXPERTS)
    start = jnp.concatenate([jnp.zeros((1,), sizes.dtype),
                             jnp.cumsum(sizes)[:-1]])
    padded = ((sizes + TM - 1) // TM) * TM
    pstart = jnp.concatenate([jnp.zeros((1,), padded.dtype),
                              jnp.cumsum(padded)[:-1]])
    ranks = jnp.arange(T * TOP_K) - start[sorted_e]
    dest = (pstart[sorted_e] + ranks).astype(jnp.int32)
    tok_ids = jnp.zeros((L,), jnp.int32).at[dest].set(
        (order // TOP_K).astype(jnp.int32))
    wts = jnp.zeros((L,), jnp.float32).at[dest].set(w_flat[order])
    pos_of_pair = jnp.zeros((T * TOP_K,), jnp.int32).at[order].set(dest)
    p0 = pos_of_pair[0::2].reshape(T, 1)
    p1 = pos_of_pair[1::2].reshape(T, 1)

    ptiles_end = (jnp.cumsum(padded) // TM).astype(jnp.int32)
    num_real = ptiles_end[-1]
    s_arr = jnp.arange(NS, dtype=jnp.int32)
    step_group = jnp.minimum(
        jnp.searchsorted(ptiles_end, s_arr, side='right').astype(jnp.int32),
        NUM_EXPERTS - 1)
    step_valid = (s_arr < num_real).astype(jnp.int32)

    xb = x.reshape(T, d).astype(jnp.bfloat16)
    scores2d = gate_scores.reshape(T, NUM_EXPERTS)
    ids3 = tok_ids.reshape(NS, TM, 1)
    wts3 = wts.reshape(NS, TM, 1)

    grid_spec = pltpu.PrefetchScalarGridSpec(
        num_scalar_prefetch=2,
        grid=(NS,),
        in_specs=[
            pl.BlockSpec((T, NUM_EXPERTS), lambda i, sg, sv: (0, 0)),
            pl.BlockSpec((T, d), lambda i, sg, sv: (0, 0)),
            pl.BlockSpec((1, TM, 1), lambda i, sg, sv: (i, 0, 0)),
            pl.BlockSpec((1, TM, 1), lambda i, sg, sv: (i, 0, 0)),
            pl.BlockSpec((1, HIDDEN, d), lambda i, sg, sv: (sg[i], 0, 0)),
            pl.BlockSpec((1, HIDDEN, d), lambda i, sg, sv: (sg[i], 0, 0)),
            pl.BlockSpec((1, d, HIDDEN), lambda i, sg, sv: (sg[i], 0, 0)),
        ],
        out_specs=[
            pl.BlockSpec((TM, d), lambda i, sg, sv: (i, 0)),
            pl.BlockSpec((1, 1), lambda i, sg, sv: (0, 0)),
        ],
    )
    ys, aux = pl.pallas_call(
        _ffn_kernel,
        grid_spec=grid_spec,
        out_shape=[
            jax.ShapeDtypeStruct((L, d), jnp.bfloat16),
            jax.ShapeDtypeStruct((1, 1), jnp.float32),
        ],
        compiler_params=pltpu.CompilerParams(
            dimension_semantics=("arbitrary",)),
    )(step_group, step_valid, scores2d, xb, ids3, wts3,
      W1.astype(jnp.bfloat16), W3.astype(jnp.bfloat16),
      W2.astype(jnp.bfloat16))

    out = pl.pallas_call(
        _combine_kernel,
        grid=(T // TMB,),
        in_specs=[
            pl.BlockSpec((L, d), lambda i: (0, 0)),
            pl.BlockSpec((TMB, 1), lambda i: (i, 0)),
            pl.BlockSpec((TMB, 1), lambda i: (i, 0)),
        ],
        out_specs=pl.BlockSpec((TMB, d), lambda i: (i, 0)),
        out_shape=jax.ShapeDtypeStruct((T, d), jnp.float32),
    )(ys, p0, p1)
    return out.reshape(b, s_len, d), aux[0, 0]

# --- scband reference (transcript-rebuilt; emitter-appended) ---
"""Pipeline reference for scband-mo-elayer-63900523430580 (READ-ONLY COPY).

The authoritative reference and input builder live on the scoring server;
editing this copy changes nothing except your own understanding.
"""

import jax, jax.numpy as jnp
import numpy as np

B, S, DIM = 1, 2048, 1024
NUM_EXPERTS = 8
HIDDEN = 2048
TOP_K = 2


def setup_inputs(seed: int = 0) -> dict:
    key = jax.random.key(seed)
    ks = jax.random.split(key, 5)
    x = jax.random.normal(ks[0], (B, S, DIM), dtype=jnp.float32)
    Wg = jax.random.normal(ks[1], (NUM_EXPERTS, DIM), dtype=jnp.float32) * (1.0 / np.sqrt(DIM))
    W1 = jax.random.normal(ks[2], (NUM_EXPERTS, HIDDEN, DIM), dtype=jnp.float32) * (1.0 / np.sqrt(DIM))
    W2 = jax.random.normal(ks[3], (NUM_EXPERTS, DIM, HIDDEN), dtype=jnp.float32) * (1.0 / np.sqrt(HIDDEN))
    W3 = jax.random.normal(ks[4], (NUM_EXPERTS, HIDDEN, DIM), dtype=jnp.float32) * (1.0 / np.sqrt(DIM))
    return {"x": x, "Wg": Wg, "W1": W1, "W2": W2, "W3": W3}


def reference(x, Wg, W1, W2, W3):
    b, s, d = x.shape
    # Router: gate = Linear(dim, num_experts, bias=False)
    gate_scores = jnp.einsum('bsd,ed->bse', x, Wg)
    top_k_values, top_k_indices = jax.lax.top_k(gate_scores, TOP_K)
    top_k_weights = jax.nn.softmax(top_k_values, axis=-1)
    expert_usage = jax.nn.softmax(gate_scores, axis=-1).mean(axis=(0, 1))
    aux_loss = NUM_EXPERTS * jnp.sum(expert_usage ** 2)

    x_flat = x.reshape(-1, d)                      # [T, D]
    idx_flat = top_k_indices.reshape(-1, TOP_K)    # [T, K]
    w_flat = top_k_weights.reshape(-1, TOP_K)      # [T, K]

    # combined per-token per-expert weight: sum_k w_k * 1[idx_k == e]
    onehot = jax.nn.one_hot(idx_flat, NUM_EXPERTS, dtype=x.dtype)  # [T, K, E]
    w_per_expert = jnp.einsum('tk,tke->te', w_flat, onehot)        # [T, E]

    # Expert: w2(silu(w1(x)) * w3(x)), all experts evaluated densely (math-equivalent)
    h1 = jnp.einsum('td,ehd->teh', x_flat, W1)
    h3 = jnp.einsum('td,ehd->teh', x_flat, W3)
    h = jax.nn.silu(h1) * h3
    expert_out = jnp.einsum('teh,edh->ted', h, W2)                 # [T, E, D]
    output = jnp.einsum('te,ted->td', w_per_expert, expert_out)    # [T, D]
    return output.reshape(b, s, d), aux_loss

if __name__ == "__main__":
    import jax
    _d = setup_inputs()
    print(jax.jit(kernel)(*tuple(_d.values())))

</pallas_src>

<mosaic_0001>
module attributes {stable_mosaic.version = 14 : i64} {
  func.func @_combine_kernel(%arg0: i32, %arg1: memref<5120x1024xbf16, #tpu.memory_space<vmem>>, %arg2: memref<256x1xi32, #tpu.memory_space<vmem>>, %arg3: memref<256x1xi32, #tpu.memory_space<vmem>>, %arg4: memref<256x1024xf32, #tpu.memory_space<vmem>>) attributes {dimension_semantics = [#tpu.dimension_semantics<arbitrary>], iteration_bounds = array<i64: 8>, scalar_prefetch = 0 : i64, scratch_operands = 0 : i64, tpu.core_type = #tpu.core_type<tc>, window_params = [{pipeline_mode = #tpu.pipeline_mode<synchronous>, transform_indices = @transform_0, window_bounds = array<i64: 5120, 1024>}, {transform_indices = @transform_1, window_bounds = array<i64: 256, 1>}, {transform_indices = @transform_2, window_bounds = array<i64: 256, 1>}, {transform_indices = @transform_3, window_bounds = array<i64: 256, 1024>}]} {
    %get3A = arith.constant 0 : index
    %get3A_0 = arith.constant 0 : index
    %get3A_1 = vector.load %arg2[%get3A, %get3A_0] : memref<256x1xi32, #tpu.memory_space<vmem>>, vector<256x1xi32>
    %get3A_2 = arith.constant 0 : index
    %get3A_3 = arith.constant 0 : index
    %get3A_4 = vector.load %arg3[%get3A_2, %get3A_3] : memref<256x1xi32, #tpu.memory_space<vmem>>, vector<256x1xi32>
    %iota3A = tpu.iota {dimensions = array<i32: 1>} : vector<256x5120xi32>
    %eq3A = vector.broadcast %get3A_1 : vector<256x1xi32> to vector<256x5120xi32>
    %eq3A_5 = arith.cmpi eq, %iota3A, %eq3A : vector<256x5120xi32>
    %convert_element_type3A = arith.extui %eq3A_5 : vector<256x5120xi1> to vector<256x5120xi32>
    %convert_element_type3A_6 = arith.sitofp %convert_element_type3A : vector<256x5120xi32> to vector<256x5120xf32>
    %convert_element_type3A_7 = arith.truncf %convert_element_type3A_6 : vector<256x5120xf32> to vector<256x5120xbf16>
    %eq3A_8 = vector.broadcast %get3A_4 : vector<256x1xi32> to vector<256x5120xi32>
    %eq3A_9 = arith.cmpi eq, %iota3A, %eq3A_8 : vector<256x5120xi32>
    %convert_element_type3A_10 = arith.extui %eq3A_9 : vector<256x5120xi1> to vector<256x5120xi32>
    %convert_element_type3A_11 = arith.sitofp %convert_element_type3A_10 : vector<256x5120xi32> to vector<256x5120xf32>
    %convert_element_type3A_12 = arith.truncf %convert_element_type3A_11 : vector<256x5120xf32> to vector<256x5120xbf16>
    %add3A = arith.addf %convert_element_type3A_7, %convert_element_type3A_12 : vector<256x5120xbf16>
    %get3A_13 = arith.constant 0 : index
    %get3A_14 = arith.constant 0 : index
    %get3A_15 = vector.load %arg1[%get3A_13, %get3A_14] : memref<5120x1024xbf16, #tpu.memory_space<vmem>>, vector<5120x1024xbf16>
    %dot_general3A = arith.constant dense<0.000000e+00> : vector<256x1024xf32>
    %dot_general3A_16 = tpu.matmul %add3A, %get3A_15, %dot_general3A {dimension_numbers = #tpu.dot_dimension_numbers<[1], [0], [0], [1], [0, 0, 1, 1], [], []>, transpose_lhs_hint = false} : vector<256x5120xbf16>, vector<5120x1024xbf16>, vector<256x1024xf32> -> vector<256x1024xf32>
    %swap3A = arith.constant 0 : index
    %swap3A_17 = arith.constant 0 : index
    %swap3A_18 = vector.load %arg4[%swap3A, %swap3A_17] : memref<256x1024xf32, #tpu.memory_space<vmem>>, vector<256x1024xf32>
    tpu.vector_store %arg4[%swap3A, %swap3A_17], %dot_general3A_16 {strides = array<i32>} : memref<256x1024xf32, #tpu.memory_space<vmem>>, vector<256x1024xf32>,
    return
  }
  func.func @transform_0(%arg0: i32) -> (i32, i32) {
    %c0_i32 = arith.constant 0 : i32
    %c0_i32_0 = arith.constant 0 : i32
    %c0_i32_1 = arith.constant 0 : i32
    return %c0_i32, %c0_i32_0 : i32, i32
  }
  func.func @transform_1(%arg0: i32) -> (i32, i32) {
    %c0_i32 = arith.constant 0 : i32
    %c0_i32_0 = arith.constant 0 : i32
    return %arg0, %c0_i32 : i32, i32
  }
  func.func @transform_2(%arg0: i32) -> (i32, i32) {
    %c0_i32 = arith.constant 0 : i32
    %c0_i32_0 = arith.constant 0 : i32
    return %arg0, %c0_i32 : i32, i32
  }
  func.func @transform_3(%arg0: i32) -> (i32, i32) {
    %c0_i32 = arith.constant 0 : i32
    %c0_i32_0 = arith.constant 0 : i32
    return %arg0, %c0_i32 : i32, i32
  }
}

module attributes {stable_mosaic.version = 14 : i64} {
  func.func @_ffn_kernel(%arg0: i32, %arg1: memref<40xi32, #tpu.memory_space<smem>>, %arg2: memref<40xi32, #tpu.memory_space<smem>>, %arg3: memref<2048x8xf32, #tpu.memory_space<vmem>>, %arg4: memref<2048x1024xbf16, #tpu.memory_space<vmem>>, %arg5: memref<1x128x1xi32, #tpu.memory_space<vmem>>, %arg6: memref<1x128x1xf32, #tpu.memory_space<vmem>>, %arg7: memref<1x2048x1024xbf16, #tpu.memory_space<vmem>>, %arg8: memref<1x2048x1024xbf16, #tpu.memory_space<vmem>>, %arg9: memref<1x1024x2048xbf16, #tpu.memory_space<vmem>>, %arg10: memref<128x1024xbf16, #tpu.memory_space<vmem>>, %arg11: memref<1x1xf32, #tpu.memory_space<vmem>>) attributes {dimension_semantics = [#tpu.dimension_semantics<arbitrary>], iteration_bounds = array<i64: 40>, scalar_prefetch = 2 : i64, scratch_operands = 0 : i64, tpu.core_type = #tpu.core_type<tc>, window_params = [{pipeline_mode = #tpu.pipeline_mode<synchronous>, transform_indices = @transform_0, window_bounds = array<i64: 2048, 8>}, {pipeline_mode = #tpu.pipeline_mode<synchronous>, transform_indices = @transform_1, window_bounds = array<i64: 2048, 1024>}, {transform_indices = @transform_2, window_bounds = array<i64: 1, 128, 1>}, {transform_indices = @transform_3, window_bounds = array<i64: 1, 128, 1>}, {transform_indices = @transform_4, window_bounds = array<i64: 1, 2048, 1024>}, {transform_indices = @transform_5, window_bounds = array<i64: 1, 2048, 1024>}, {transform_indices = @transform_6, window_bounds = array<i64: 1, 1024, 2048>}, {transform_indices = @transform_7, window_bounds = array<i64: 128, 1024>}, {pipeline_mode = #tpu.pipeline_mode<synchronous>, transform_indices = @transform_8, window_bounds = array<i64: 1, 1>}]} {
    %eq3A = arith.constant 0 : i32
    %eq3A_0 = arith.cmpi eq, %arg0, %eq3A : i32
    %convert_element_type3A = arith.extui %eq3A_0 : i1 to i32
    %cond3A = arith.constant 0 : i32
    %cond3A_1 = arith.cmpi ne, %convert_element_type3A, %cond3A : i32
    scf.if %cond3A_1 {
      %get3A_14 = arith.constant 0 : index
      %get3A_15 = arith.constant 0 : index
      %get3A_16 = vector.load %arg3[%get3A_14, %get3A_15] : memref<2048x8xf32, #tpu.memory_space<vmem>>, vector<2048x8xf32>
      %reduce_max3A = arith.constant dense<0xFF800000> : vector<2048xf32>
      %reduce_max3A_17 = vector.multi_reduction <maximumf>, %get3A_16, %reduce_max3A [1] : vector<2048x8xf32> to vector<2048xf32>
      %broadcast_in_dim3A = vector.shape_cast %reduce_max3A_17 : vector<2048xf32> to vector<2048x1xf32>
      %sub3A = vector.broadcast %broadcast_in_dim3A : vector<2048x1xf32> to vector<2048x8xf32>
      %sub3A_18 = arith.subf %get3A_16, %sub3A : vector<2048x8xf32>
      %exp3A = math.exp %sub3A_18 : vector<2048x8xf32>
      %reduce_sum3A = arith.constant dense<0.000000e+00> : vector<2048xf32>
      %reduce_sum3A_19 = vector.multi_reduction <add>, %exp3A, %reduce_sum3A [1] : vector<2048x8xf32> to vector<2048xf32>
      %broadcast_in_dim3A_20 = vector.shape_cast %reduce_sum3A_19 : vector<2048xf32> to vector<2048x1xf32>
      %div3A = vector.broadcast %broadcast_in_dim3A_20 : vector<2048x1xf32> to vector<2048x8xf32>
      %div3A_21 = arith.divf %exp3A, %div3A : vector<2048x8xf32>
      %reduce_sum3A_22 = arith.constant dense<0.000000e+00> : vector<8xf32>
      %reduce_sum3A_23 = vector.multi_reduction <add>, %div3A_21, %reduce_sum3A_22 [0] : vector<2048x8xf32> to vector<8xf32>
      %broadcast_in_dim3A_24 = vector.shape_cast %reduce_sum3A_23 : vector<8xf32> to vector<1x8xf32>
      %div3A_25 = arith.constant 2.048000e+03 : f32
      %div3A_26 = vector.broadcast %div3A_25 : f32 to vector<1x8xf32>
      %div3A_27 = arith.divf %broadcast_in_dim3A_24, %div3A_26 : vector<1x8xf32>
      %mul3A = arith.mulf %div3A_27, %div3A_27 : vector<1x8xf32>
      %reduce_sum3A_28 = arith.constant dense<0.000000e+00> : vector<1xf32>
      %reduce_sum3A_29 = vector.multi_reduction <add>, %mul3A, %reduce_sum3A_28 [1] : vector<1x8xf32> to vector<1xf32>
      %broadcast_in_dim3A_30 = vector.shape_cast %reduce_sum3A_29 : vector<1xf32> to vector<1x1xf32>
      %mul3A_31 = arith.constant 8.000000e+00 : f32
      %mul3A_32 = vector.broadcast %mul3A_31 : f32 to vector<1x1xf32>
      %mul3A_33 = arith.mulf %mul3A_32, %broadcast_in_dim3A_30 : vector<1x1xf32>
      %swap3A = arith.constant 0 : index
      %swap3A_34 = arith.constant 0 : index
      %swap3A_35 = vector.load %arg11[%swap3A, %swap3A_34] : memref<1x1xf32, #tpu.memory_space<vmem>>, vector<1x1xf32>
      tpu.vector_store %arg11[%swap3A, %swap3A_34], %mul3A_33 {strides = array<i32>} : memref<1x1xf32, #tpu.memory_space<vmem>>, vector<1x1xf32>,
    } else {
    }
    %get3A = arith.index_cast %arg0 : i32 to index
    %get3A_2 = memref.load %arg2[%get3A] : memref<40xi32, #tpu.memory_space<smem>>
    %ne3A = arith.constant 0 : i32
    %ne3A_3 = arith.cmpi ne, %get3A_2, %ne3A : i32
    %convert_element_type3A_4 = arith.extui %ne3A_3 : i1 to i32
    %cond3A_5 = arith.constant 0 : i32
    %cond3A_6 = arith.cmpi ne, %convert_element_type3A_4, %cond3A_5 : i32
    scf.if %cond3A_6 {
      %get3A_14 = arith.constant 0 : index
      %get3A_15 = arith.constant 0 : index
      %get3A_16 = arith.constant 0 : index
      %get3A_17 = vector.load %arg5[%get3A_14, %get3A_15, %get3A_16] : memref<1x128x1xi32, #tpu.memory_space<vmem>>, vector<1x128x1xi32>
      %get3A_18 = vector.shape_cast %get3A_17 : vector<1x128x1xi32> to vector<128x1xi32>
      %get3A_19 = arith.constant 0 : index
      %get3A_20 = arith.constant 0 : index
      %get3A_21 = arith.constant 0 : index
      %get3A_22 = vector.load %arg6[%get3A_19, %get3A_20, %get3A_21] : memref<1x128x1xf32, #tpu.memory_space<vmem>>, vector<1x128x1xf32>
      %get3A_23 = vector.shape_cast %get3A_22 : vector<1x128x1xf32> to vector<128x1xf32>
      %iota3A = tpu.iota {dimensions = array<i32: 1>} : vector<128x2048xi32>
      %eq3A_24 = vector.broadcast %get3A_18 : vector<128x1xi32> to vector<128x2048xi32>
      %eq3A_25 = arith.cmpi eq, %iota3A, %eq3A_24 : vector<128x2048xi32>
      %convert_element_type3A_26 = arith.extui %eq3A_25 : vector<128x2048xi1> to vector<128x2048xi32>
      %convert_element_type3A_27 = arith.sitofp %convert_element_type3A_26 : vector<128x2048xi32> to vector<128x2048xf32>
      %convert_element_type3A_28 = arith.truncf %convert_element_type3A_27 : vector<128x2048xf32> to vector<128x2048xbf16>
      %get3A_29 = arith.constant 0 : index
      %get3A_30 = arith.constant 0 : index
      %get3A_31 = vector.load %arg4[%get3A_29, %get3A_30] : memref<2048x1024xbf16, #tpu.memory_space<vmem>>, vector<2048x1024xbf16>
      %dot_general3A = arith.constant dense<0.000000e+00> : vector<128x1024xf32>
      %dot_general3A_32 = tpu.matmul %convert_element_type3A_28, %get3A_31, %dot_general3A {dimension_numbers = #tpu.dot_dimension_numbers<[1], [0], [0], [1], [0, 0, 1, 1], [], []>, transpose_lhs_hint = false} : vector<128x2048xbf16>, vector<2048x1024xbf16>, vector<128x1024xf32> -> vector<128x1024xf32>
      %convert_element_type3A_33 = arith.truncf %dot_general3A_32 : vector<128x1024xf32> to vector<128x1024xbf16>
      %get3A_34 = arith.constant 0 : index
      %get3A_35 = arith.constant 0 : index
      %get3A_36 = arith.constant 0 : index
      %get3A_37 = vector.load %arg7[%get3A_34, %get3A_35, %get3A_36] : memref<1x2048x1024xbf16, #tpu.memory_space<vmem>>, vector<1x2048x1024xbf16>
      %get3A_38 = vector.shape_cast %get3A_37 : vector<1x2048x1024xbf16> to vector<2048x1024xbf16>
      %get3A_39 = arith.constant 0 : index
      %get3A_40 = arith.constant 0 : index
      %get3A_41 = arith.constant 0 : index
      %get3A_42 = vector.load %arg8[%get3A_39, %get3A_40, %get3A_41] : memref<1x2048x1024xbf16, #tpu.memory_space<vmem>>, vector<1x2048x1024xbf16>
      %get3A_43 = vector.shape_cast %get3A_42 : vector<1x2048x1024xbf16> to vector<2048x1024xbf16>
      %get3A_44 = arith.constant 0 : index
      %get3A_45 = arith.constant 0 : index
      %get3A_46 = arith.constant 0 : index
      %get3A_47 = vector.load %arg9[%get3A_44, %get3A_45, %get3A_46] : memref<1x1024x2048xbf16, #tpu.memory_space<vmem>>, vector<1x1024x2048xbf16>
      %get3A_48 = vector.shape_cast %get3A_47 : vector<1x1024x2048xbf16> to vector<1024x2048xbf16>
      %dot_general3A_49 = arith.constant dense<0.000000e+00> : vector<128x2048xf32>
      %dot_general3A_50 = tpu.matmul %convert_element_type3A_33, %get3A_38, %dot_general3A_49 {dimension_numbers = #tpu.dot_dimension_numbers<[1], [1], [0], [0], [0, 0, 1, 0], [], []>, transpose_lhs_hint = false} : vector<128x1024xbf16>, vector<2048x1024xbf16>, vector<128x2048xf32> -> vector<128x2048xf32>
      %dot_general3A_51 = arith.constant dense<0.000000e+00> : vector<128x2048xf32>
      %dot_general3A_52 = tpu.matmul %convert_element_type3A_33, %get3A_43, %dot_general3A_51 {dimension_numbers = #tpu.dot_dimension_numbers<[1], [1], [0], [0], [0, 0, 1, 0], [], []>, transpose_lhs_hint = false} : vector<128x1024xbf16>, vector<2048x1024xbf16>, vector<128x2048xf32> -> vector<128x2048xf32>
      %logistic3A = arith.negf %dot_general3A_50 : vector<128x2048xf32>
      %logistic3A_53 = math.exp %logistic3A : vector<128x2048xf32>
      %logistic3A_54 = arith.constant 1.000000e+00 : f32
      %logistic3A_55 = vector.broadcast %logistic3A_54 : f32 to vector<128x2048xf32>
      %logistic3A_56 = arith.addf %logistic3A_55, %logistic3A_53 : vector<128x2048xf32>
      %logistic3A_57 = arith.divf %logistic3A_55, %logistic3A_56 : vector<128x2048xf32>
      %mul3A = arith.mulf %dot_general3A_50, %logistic3A_57 : vector<128x2048xf32>
      %mul3A_58 = arith.mulf %mul3A, %dot_general3A_52 : vector<128x2048xf32>
      %convert_element_type3A_59 = arith.truncf %mul3A_58 : vector<128x2048xf32> to vector<128x2048xbf16>
      %dot_general3A_60 = arith.constant dense<0.000000e+00> : vector<128x1024xf32>
      %dot_general3A_61 = tpu.matmul %convert_element_type3A_59, %get3A_48, %dot_general3A_60 {dimension_numbers = #tpu.dot_dimension_numbers<[1], [1], [0], [0], [0, 0, 1, 0], [], []>, transpose_lhs_hint = false} : vector<128x2048xbf16>, vector<1024x2048xbf16>, vector<128x1024xf32> -> vector<128x1024xf32>
      %mul3A_62 = vector.broadcast %get3A_23 : vector<128x1xf32> to vector<128x1024xf32>
      %mul3A_63 = arith.mulf %dot_general3A_61, %mul3A_62 : vector<128x1024xf32>
      %convert_element_type3A_64 = arith.truncf %mul3A_63 : vector<128x1024xf32> to vector<128x1024xbf16>
      %swap3A = arith.constant 0 : index
      %swap3A_65 = arith.constant 0 : index
      %swap3A_66 = vector.load %arg10[%swap3A, %swap3A_65] : memref<128x1024xbf16, #tpu.memory_space<vmem>>, vector<128x1024xbf16>
      tpu.vector_store %arg10[%swap3A, %swap3A_65], %convert_element_type3A_64 {strides = array<i32>} : memref<128x1024xbf16, #tpu.memory_space<vmem>>, vector<128x1024xbf16>,
    } else {
    }
    %get3A_7 = arith.index_cast %arg0 : i32 to index
    %get3A_8 = memref.load %arg2[%get3A_7] : memref<40xi32, #tpu.memory_space<smem>>
    %eq3A_9 = arith.constant 0 : i32
    %eq3A_10 = arith.cmpi eq, %get3A_8, %eq3A_9 : i32
    %convert_element_type3A_11 = arith.extui %eq3A_10 : i1 to i32
    %cond3A_12 = arith.constant 0 : i32
    %cond3A_13 = arith.cmpi ne, %convert_element_type3A_11, %cond3A_12 : i32
    scf.if %cond3A_13 {
      %broadcast_in_dim3A = arith.constant 0.000000e+00 : bf16
      %broadcast_in_dim3A_14 = vector.broadcast %broadcast_in_dim3A : bf16 to vector<128x1024xbf16>
      %swap3A = arith.constant 0 : index
      %swap3A_15 = arith.constant 0 : index
      %swap3A_16 = vector.load %arg10[%swap3A, %swap3A_15] : memref<128x1024xbf16, #tpu.memory_space<vmem>>, vector<128x1024xbf16>
      tpu.vector_store %arg10[%swap3A, %swap3A_15], %broadcast_in_dim3A_14 {strides = array<i32>} : memref<128x1024xbf16, #tpu.memory_space<vmem>>, vector<128x1024xbf16>,
    } else {
    }
    return
  }
  func.func @transform_0(%arg0: i32, %arg1: memref<40xi32, #tpu.memory_space<smem>>, %arg2: memref<40xi32, #tpu.memory_space<smem>>) -> (i32, i32) {
    %c0_i32 = arith.constant 0 : i32
    %c0_i32_0 = arith.constant 0 : i32
    %c0_i32_1 = arith.constant 0 : i32
    return %c0_i32, %c0_i32_0 : i32, i32
  }
  func.func @transform_1(%arg0: i32, %arg1: memref<40xi32, #tpu.memory_space<smem>>, %arg2: memref<40xi32, #tpu.memory_space<smem>>) -> (i32, i32) {
    %c0_i32 = arith.constant 0 : i32
    %c0_i32_0 = arith.constant 0 : i32
    %c0_i32_1 = arith.constant 0 : i32
    return %c0_i32, %c0_i32_0 : i32, i32
  }
  func.func @transform_2(%arg0: i32, %arg1: memref<40xi32, #tpu.memory_space<smem>>, %arg2: memref<40xi32, #tpu.memory_space<smem>>) -> (i32, i32, i32) {
    %c0_i32 = arith.constant 0 : i32
    %c0_i32_0 = arith.constant 0 : i32
    %c0_i32_1 = arith.constant 0 : i32
    return %arg0, %c0_i32, %c0_i32_0 : i32, i32, i32
  }
  func.func @transform_3(%arg0: i32, %arg1: memref<40xi32, #tpu.memory_space<smem>>, %arg2: memref<40xi32, #tpu.memory_space<smem>>) -> (i32, i32, i32) {
    %c0_i32 = arith.constant 0 : i32
    %c0_i32_0 = arith.constant 0 : i32
    %c0_i32_1 = arith.constant 0 : i32
    return %arg0, %c0_i32, %c0_i32_0 : i32, i32, i32
  }
  func.func @transform_4(%arg0: i32, %arg1: memref<40xi32, #tpu.memory_space<smem>>, %arg2: memref<40xi32, #tpu.memory_space<smem>>) -> (i32, i32, i32) {
    %get3A = arith.index_cast %arg0 : i32 to index
    %get3A_0 = memref.load %arg1[%get3A] : memref<40xi32, #tpu.memory_space<smem>>
    %c0_i32 = arith.constant 0 : i32
    %c0_i32_1 = arith.constant 0 : i32
    %c0_i32_2 = arith.constant 0 : i32
    return %get3A_0, %c0_i32, %c0_i32_1 : i32, i32, i32
  }
  func.func @transform_5(%arg0: i32, %arg1: memref<40xi32, #tpu.memory_space<smem>>, %arg2: memref<40xi32, #tpu.memory_space<smem>>) -> (i32, i32, i32) {
    %get3A = arith.index_cast %arg0 : i32 to index
    %get3A_0 = memref.load %arg1[%get3A] : memref<40xi32, #tpu.memory_space<smem>>
    %c0_i32 = arith.constant 0 : i32
    %c0_i32_1 = arith.constant 0 : i32
    %c0_i32_2 = arith.constant 0 : i32
    return %get3A_0, %c0_i32, %c0_i32_1 : i32, i32, i32
  }
  func.func @transform_6(%arg0: i32, %arg1: memref<40xi32, #tpu.memory_space<smem>>, %arg2: memref<40xi32, #tpu.memory_space<smem>>) -> (i32, i32, i32) {
    %get3A = arith.index_cast %arg0 : i32 to index
    %get3A_0 = memref.load %arg1[%get3A] : memref<40xi32, #tpu.memory_space<smem>>
    %c0_i32 = arith.constant 0 : i32
    %c0_i32_1 = arith.constant 0 : i32
    %c0_i32_2 = arith.constant 0 : i32
    return %get3A_0, %c0_i32, %c0_i32_1 : i32, i32, i32
  }
  func.func @transform_7(%arg0: i32, %arg1: memref<40xi32, #tpu.memory_space<smem>>, %arg2: memref<40xi32, #tpu.memory_space<smem>>) -> (i32, i32) {
    %c0_i32 = arith.constant 0 : i32
    %c0_i32_0 = arith.constant 0 : i32
    return %arg0, %c0_i32 : i32, i32
  }
  func.func @transform_8(%arg0: i32, %arg1: memref<40xi32, #tpu.memory_space<smem>>, %arg2: memref<40xi32, #tpu.memory_space<smem>>) -> (i32, i32) {
    %c0_i32 = arith.constant 0 : i32
    %c0_i32_0 = arith.constant 0 : i32
    %c0_i32_1 = arith.constant 0 : i32
    return %c0_i32, %c0_i32_0 : i32, i32
  }
}

</mosaic_0001>

<sc_bundles>
// kernel: gather_offload_async_start.1
scs
__scs_entry_jumppad:
0x0: {  	(pc) =	sbr.rel $0x88, $3  }
0x1: {  	(tag) =	ssettag $0x0;
	lr =	simm.s32 $0x1  }
0x2: {  	[smem:$0x3F9C] =	sst lr;
	_ =	strace $0xD0000000  }
0x3: {  	_ = 	snop  }
0x4: {  	_ = 	snop  }
0x5: {  	_ = 	snop  }
0x6: {  	_ = 	snop  }
0x7: {  	_ = 	snop  }
__scs_overlays_trampoline_lowered:
0x8: {  	[smem:$0x3FAB] =	sst s0  }
0x9: {  	[smem:$0x3FAC] =	sst s1  }
0xa: {  	[smem:$0x3FAD] =	sst s2  }
0xb: {  	[smem:$0x3FAE] =	sst s3  }
0xc: {  	[smem:$0x3FAF] =	sst s4  }
0xd: {  	[smem:$0x3FB0] =	sst s5  }
0xe: {  	[smem:$0x3FB1] =	sst s6  }
0xf: {  	[smem:$0x3FB2] =	sst s7  }
0x10: {  	[smem:$0x3FB3] =	sst s8  }
0x11: {  	[smem:$0x3FB4] =	sst s9;
	s0 =	simm.s32 @!p0 $0x0  }
0x12: {  	s1 =	sld [smem:$0x3F9A];
	s0 =	simm.s32 @p0 $0x1  }
0x13: {  	[smem:$0x3FB5] =	sst s0;
	s0 =	simm.s32 @!p1 $0x0  }
0x14: {  	s2 =	sld [smem:$0x3F99];
	s0 =	simm.s32 @p1 $0x1  }
0x15: {  	[smem:$0x3FB6] =	sst s0;
	s0 =	simm.s32 @!p2 $0x0  }
0x16: {  	s3 =	sld [smem:$0x3FDB];
	s0 =	simm.s32 @p2 $0x1  }
0x17: {  	s4 =	simm.s32 $0x1BF5;
	[smem:$0x3FB8] =	sst s0  }
0x18: {  	s0 =	sld [smem:$0x3F9B];
	_ =	swait.ge [sflag:s4], $0x0  }
0x19: {  	s7 =	sld [smem:$0x3F9C]  }
0x1a: {  	s8 =	sadd.s32 $0xFFFFE003, lr  }
0x1b: {  	s9 =	sadd.s32 $0xFFFFFEF7, lr;
	s5 =	simm.s32 $0xFFFFFFFF;
	p2 =	slt.u32 s8, $0xFFFFF086  }
0x1c: {  	p1 =	slt.u32 s9, $0xF7A;
	s5 =	simm.s32 @!p2 $0x0  }
0x1d: {  	s5 =	simm.s32 @p1 $0x1;
	p0 =	seq.s32 s7, s2  }
0x1e: {  	s7 =	smul.u32 @!p0 $0xF7A, s2;
	p2 =	seq.s32 @!p0 s5, $0x0  }
0x1f: {  	s9 =	smul.u32 $0xF7A, s1;
	s8 =	simm.s32 @!p0 $0x1BF5;
	p2 =	por !p2, p0  }
0x20: {  	[sflag:s8] =	ssyncset.s32 @!p0 $0xFFFFF086;
	s6 =	sadd.s32 @!p0 s3, s7;
	s7 =	simm.s32 @!p0 $0x108  }
0x21: {  	s3 =	sadd.s32 s3, s9;
	s6 =	sadd.s32 @!p0 $0x88, s6;
	s7 =	simm.s32 @p2 $0x1082  }
0x22: {  	[simem:s7], [sflag:s8] =	dma.local @!p0 [hbm:s6], $0xF7A  }
0x23: {  	s9 =	sor.u32 $0xD0000000, s2;
	s6 =	simm.s32 $0x108;
	_ =	swait.ge @!p0 [sflag:s8], $0x0  }
0x24: {  	s3 =	sadd.s32 $0x88, s3;
	s6 =	simm.s32 @!p1 $0x1082;
	[sflag:s4] =	ssyncset.s32 $0xFFFFF086  }
0x25: {  	[simem:s6], [sflag:s4] =	dma.local [hbm:s3], $0xF7A  }
0x26: {  	[smem:$0x3F9C] =	sst s1;
	(tag) =	ssettag s2;
	_ =	strace s9  }
0x27: {  	s1 =	sld [smem:$0x3FAC]  }
0x28: {  	s2 =	sld [smem:$0x3FAD]  }
0x29: {  	s4 =	sld [smem:$0x3FAF]  }
0x2a: {  	p0 =	seq.s32 s5, $0x0;
	s5 =	sld [smem:$0x3FB0]  }
0x2b: {  	s6 =	sld [smem:$0x3FB1]  }
0x2c: {  	s7 =	sld [smem:$0x3FB2]  }
0x2d: {  	s3 =	simm.s32 $0x108;
	s8 =	sld [smem:$0x3FB3]  }
0x2e: {  	s3 =	simm.s32 @!p0 $0x1082;
	s9 =	sld [smem:$0x3FB4]  }
0x2f: {  	lr =	sadd.s32 s0, s3;
	s0 =	sld [smem:$0x3FAB]  }
0x30: {  	s3 =	sld [smem:$0x3FAE]  }
0x31: {  	[smem:$0x3FB7] =	sst s10  }
0x32: {  	s10 =	sld [smem:$0x3FB5];
	_ =	sdelay $0x3  }
0x33: {  	p0 =	seq.s32 s10, $0x1;
	s10 =	sld [smem:$0x3FB7];
	_ =	sdelay $0x3  }
0x34: {  	[smem:$0x3FB7] =	sst s10  }
0x35: {  	s10 =	sld [smem:$0x3FB6];
	_ =	sdelay $0x3  }
0x36: {  	p1 =	seq.s32 s10, $0x1;
	s10 =	sld [smem:$0x3FB7];
	_ =	sdelay $0x3  }
0x37: {  	[smem:$0x3FB7] =	sst s10  }
0x38: {  	s10 =	sld [smem:$0x3FB8]  }
0x39: {  	_ = 	snop;
	(pc) =	sbr.ind lr, $3  }
0x3a: {  	_ = 	snop  }
0x3b: {  	_ = 	snop  }
0x3c: {  	p2 =	seq.s32 s10, $0x1;
	s10 =	sld [smem:$0x3FB7]  }
0x3d: {  	_ =	shalt  }
0x3e: {  	_ =	shalt  }
0x3f: {  	_ =	shalt  }
0x40: {  	_ =	shalt  }
0x41: {  	_ =	shalt  }
0x42: {  	_ =	shalt  }
0x43: {  	_ =	shalt  }
0x44: {  	_ =	shalt  }
0x45: {  	_ =	shalt  }
0x46: {  	_ =	shalt  }
0x47: {  	_ =	shalt  }
0x48: {  	_ =	shalt  }
0x49: {  	_ =	shalt  }
0x4a: {  	_ =	shalt  }
0x4b: {  	_ =	shalt  }
0x4c: {  	_ =	shalt  }
0x4d: {  	_ =	shalt  }
0x4e: {  	_ =	shalt  }
0x4f: {  	_ =	shalt  }
0x50: {  	_ =	shalt  }
0x51: {  	_ =	shalt  }
0x52: {  	_ =	shalt  }
0x53: {  	_ =	shalt  }
0x54: {  	_ =	shalt  }
0x55: {  	_ =	shalt  }
0x56: {  	_ =	shalt  }
0x57: {  	_ =	shalt  }
0x58: {  	_ =	shalt  }
0x59: {  	_ =	shalt  }
0x5a: {  	_ =	shalt  }
0x5b: {  	_ =	shalt  }
0x5c: {  	_ =	shalt  }
0x5d: {  	_ =	shalt  }
0x5e: {  	_ =	shalt  }
0x5f: {  	_ =	shalt  }
0x60: {  	_ =	shalt  }
0x61: {  	_ =	shalt  }
0x62: {  	_ =	shalt  }
0x63: {  	_ =	shalt  }
0x64: {  	_ =	shalt  }
0x65: {  	_ =	shalt  }
0x66: {  	_ =	shalt  }
0x67: {  	_ =	shalt  }
0x68: {  	_ =	shalt  }
0x69: {  	_ =	shalt  }
0x6a: {  	_ =	shalt  }
0x6b: {  	_ =	shalt  }
0x6c: {  	_ =	shalt  }
0x6d: {  	_ =	shalt  }
0x6e: {  	_ =	shalt  }
0x6f: {  	_ =	shalt  }
0x70: {  	_ =	shalt  }
0x71: {  	_ =	shalt  }
0x72: {  	_ =	shalt  }
0x73: {  	_ =	shalt  }
0x74: {  	_ =	shalt  }
0x75: {  	_ =	shalt  }
0x76: {  	_ =	shalt  }
0x77: {  	_ =	shalt  }
0x78: {  	_ =	shalt  }
0x79: {  	_ =	shalt  }
0x7a: {  	_ =	shalt  }
0x7b: {  	_ =	shalt  }
0x7c: {  	_ =	shalt  }
0x7d: {  	_ =	shalt  }
0x7e: {  	_ =	shalt  }
0x7f: {  	_ =	shalt  }
0x80: {  	_ =	shalt  }
0x81: {  	_ =	shalt  }
0x82: {  	_ =	shalt  }
0x83: {  	_ =	shalt  }
0x84: {  	_ =	shalt  }
0x85: {  	_ =	shalt  }
0x86: {  	_ =	shalt  }
0x87: {  	_ =	shalt  }
.Lfunc_end0:
.L_simem_size_0:
called_computation.2_lowered:
.L_overlay_start_0:
0x88: {  	s2 =	sld [smem:$0x3FD9]  }
0x89: {  	s3 =	sld [smem:$0x3FFE];
	_ =	sdelay $0x1  }
0x8a: {  	s1 =	srdreg.scid  }
0x8b: {  	s0 =	sand.u32 $0x1, s1  }
0x8c: {  	s14 =	sshll.u32 s0, $0xA;
	s2 =	sadd.s32 s3, s2  }
0x8d: {  	s2 =	sadd.s32 s2, s14  }
0x8e: {  	[smem:$0x3FC3] =	sst s2  }
0x8f: {  	_ = 	snop  }
0x90: {  	s2 =	sld [smem:$0x3FD0];
	_ =	sdelay $0x2  }
0x91: {  	s15 =	simm.s32 $0xA;
	s4 =	simm.s32 $0x10  }
0x92: {  	[smem:s4], [sflag:s15] =	dma.local [hbm:s2], $0x1  }
0x93: {  	_ =	swait.eq [sflag:s15], $0x1  }
0x94: {  	[sflag:s15] =	ssyncset.done $0x0  }
0x95: {  	[sflag:s15] =	ssyncadd.s32 $0xFFFFFFFF  }
0x96: {  	s16 =	sld [smem:$0x10];
	(tm) =	ssettm $0x1  }
0x97: {  	s17 =	sld [smem:$0x3FFB];
	_ =	sdelay $0x3  }
0x98: {  	_ =	strace s17  }
0x99: {  	s3 =	sld [smem:$0x3FFC];
	_ =	sdelay $0x3  }
0x9a: {  	_ =	strace s3  }
0x9b: {  	s3 =	sld [smem:$0x3FFD];
	_ =	sdelay $0x3  }
0x9c: {  	_ =	strace s3  }
0x9d: {  	_ =	strace $0x8FFFFFFF  }
0x9e: {  	s18 =	sld [smem:$0x3FDB];
	_ =	sdelay $0x1  }
0x9f: {  	s19 =	simm.s32 $_scs_section_size  }
0xa0: {  	s5 =	simm.s32 $_size__tile_overlayer_lowered;
	s6 =	simm.s32 $_tile_overlayer_lowered  }
0xa1: {  	s22 =	simm.s32 $0x1BFF;
	s21 =	sshll.u32 s6, $0x1;
	s3 =	sadd.s32 s19, s18  }
0xa2: {  	s7 =	simm.s32 $0x0;
	s20 =	sshll.u32 s5, $0x1;
	s5 =	sadd.s32 s21, s3  }
0xa3: {  	[timem:s7], [sflag:s22] =	dma.local [hbm:s5], s20  }
0xa4: {  	_ =	swait.ge [sflag:s22], s20  }
0xa5: {  	s4 =	ssub.s32 $0x0, s20;
	[sflag:s22] =	ssyncset.done $0x0  }
0xa6: {  	[sflag:s22] =	ssyncadd.s32 s4;
	_ =	sdelay $0x1  }
0xa7: {  	s23 =	simm.s32 $0x1B8B  }
0xa8: {  	_ =	swait.ge [sflag:s23], $0x1  }
0xa9: {  	[sflag:s23] =	ssyncset.done $0x0  }
0xaa: {  	s25 =	simm.s32 $0x1B8E;
	s24 =	sld [smem:$0x3FFE];
	[sflag:s23] =	ssyncadd.s32 $0xFFFFFFFF  }
0xab: {  	s26 =	simm.s32 $execute0_lowered;
	[smem:$0x3FD2] =	sst s25  }
0xac: {  	s5 =	sshll.u32 s26, $0x1;
	_ =	strace $0x8000004C;
	[dreg:$0x1] =	wrdreg $0xFFFFFFFF  }
0xad: {  	s28 =	simm.s32 $_size_execute0_lowered;
	s3 =	sadd.s32 s3, s5;
	[dreg:$0x0] =	wrdreg $0x0  }
0xae: {  	s5 =	sshll.u32 s28, $0x1;
	[dreg:$0x2] =	wrdreg s3  }
0xaf: {  	[dreg:$0x3] =	wrdreg s5  }
0xb0: {  	[dreg:$0x4] =	wrdreg $0xC0  }
0xb1: {  	_ =	task [dreg:s7], $0x5FFFF  }
0xb2: {  	[dreg:$0x1] =	wrdreg $0xFFFFFFFF  }
0xb3: {  	[dreg:$0x0] =	wrdreg $0x60  }
0xb4: {  	[dreg:$0x2] =	wrdreg s24  }
0xb5: {  	[dreg:$0x3] =	wrdreg s16  }
0xb6: {  	[dreg:$0x4] =	wrdreg $0x9  }
0xb7: {  	_ =	task.clear_ibuf [dreg:s7], $0x5FFFF;
	_ =	strace $0x9000004C  }
0xb8: {  	s29 =	simm.s32 $0x9;
	_ =	strace $0x8000004E  }
0xb9: {  	_ =	swait.ge [sflag:s29], $0x1  }
0xba: {  	[sflag:s29] =	ssyncadd.s32 $0xFFFFFFFF  }
0xbb: {  	_ =	strace $0x9000004E  }
0xbc: {  	_ =	sfence  }
0xbd: {  	s30 =	sld [smem:$0x0];
	_ =	sdelay $0x2  }
0xbe: {  	s31 =	sshll.u32 s1, $0xD;
	s1 =	sshrl.u32 s1, $0x2  }
0xbf: {  	s3 =	sand.u32 $0x4000, s31;
	s1 =	sadd.s32 s1, s30  }
0xc0: {  	s0 =	sor.u32 s3, s0;
	s1 =	sshll.u32 s1, $0x11  }
0xc1: {  	s0 =	sor.u32 s1, s0  }
0xc2: {  	s0 =	sadd.s32 $0x8F2B, s0  }
0xc3: {  	[sflag:s0] =	ssyncadd.remote.s32 $0x1  }
0xc4: {  	_ =	sfence.sel $0xFFFF  }
0xc5: {  	[dreg:$0x0] =	wrdreg $0xFFFFFFFF;
	(pc) =	sbr.abs _section_cstart, $3  }
0xc6: {  	[dreg:$0x1] =	wrdreg $0xFFFFFFFF  }
0xc7: {  	_ =	task.clear_ibuf [dreg:s7], $0x2FFFF;
	_ =	strace $0x9FFFFFFF  }
0xc8: {  	(tm) =	ssettm $0x7FFFFFFF  }
0xc9: {  	_ =	shalt  }
tec
execute0_lowered:
.L_overlay_start_1:
0x0: {  	(tag) =	ssettag $0x1  }
0x1: {  	s1 =	srdreg.scid;
	s5 =	rddreg [dreg:$0x0]  }
0x2: {  	s0 =	stileid.u32;
	s2 =	rddreg [dreg:$0x1];
	s6 =	simm.s32 $0x1  }
0x3: {  	s9 =	simm.s32 $0x1;
	s10 =	simm.s32 $0x3;
	s1 =	sshll.u32 s1, $0x6  }
0x4: {  	s13 =	simm.s32 $0x0;
	s3 =	sshll.u32 s0, $0x7;
	s4 =	sand.u32 $0x40, s1  }
0x5: {  	s12 =	simm.s32 $0x0;
	s1 =	rddreg [dreg:$0x2];
	s3 =	sor.u32 s3, s4  }
0x6: {  	_ =	strace $0x8000004D;
	s4 =	sadd.s32 $0x800, s5;
	s8 =	ssub.s32 $0x1000, s3  }
.Ltmp0:
0x7: {  	s5 =	sadd.s32 $0x600, s5;
	s7 =	sand.u32 $0x7C0, s8;
	(pc) =	sbr.rel .LBB2_1-.Ltmp0, $4  }
0x8: {  	[sflag:s6] =	ssyncpa.u1 $0x0;
	s11 =	smov.u32 s3;
	p0 =	sne.s32 s7, $0x0  }
0x9: {  	s8 =	sshrl.u32 s8, $0xB;
	s7 =	simm.s32 $0x2;
	s9 =	simm.s32 @!p0 $0x0  }
0xa: {  	[sflag:s7] =	ssyncpa.u1 $0x0;
	p0 =	por $0x0, $0x0;
	s8 =	sadd.s32 s9, s8  }
0xb: {  	vm0 =	vmmov $0xffff;
	[sflag:s10] =	ssyncpa.u1 $0x0;
	s10 =	simm.s32 $0x0;
	s9 =	sadd.s32 $0x1, s8  }
.LBB2_4:
0xc: {  	v2 =	vnsel vm1, $0x0, v2  }
0xd: {  	vm1 =	vgt.s32 v0, $0x0;
	v2 =	vmin.u32 v2, $0xFFF  }
0xe: {  	v0 =	vnsel vm1, $0x0, v0  }
0xf: {  	v0 =	vmin.u32 v0, $0xFFF  }
0x10: {  	[tilespmem:s15], [sflag:$0x1] =	stream.indirect_vreg.gather [hbm4b:s4+s10], $0x1, v1, vm0, $0x4038;
	[tilespmem:$0x100] =	vst v63  }
0x11: {  	(ifvalue) =	ssetifvalue $0x7FFFFFFF  }
0x12: {  	[tilespmem:s16], [sflag:$0x1] =	stream.indirect_vreg.gather [hbm4b:s4+s10], $0x1, v2, vm0, $0x4038;
	[tilespmem:$0x100] =	vst v63  }
0x13: {  	s29 =	sadd.s32 $0x10, s16;
	(ifvalue) =	ssetifvalue $0x7FFFFFFF  }
0x14: {  	[tilespmem:s29], [sflag:$0x1] =	stream.indirect_vreg.gather [hbm4b:s4+s10], $0x1, v0, vm0, $0x4038;
	[tilespmem:$0x100] =	vst v63  }
0x15: {  	_ =	swait.ge [sflag:s6], $0x40  }
0x16: {  	s30 =	sshrl.u32 s13, $0x3;
	[sflag:s6] =	ssyncset.done $0x0  }
0x17: {  	s31 =	sand.u32 $0x7, s13;
	s15 =	sadd.s32 s2, s30;
	[sflag:s6] =	ssyncadd.s32 $0xFFFFFFC0  }
0x18: {  	[hbm4b:s15+s31] =	stream.linear.scatter [tilespmem:s14], [sflag:$0x3], $0x40, $0x38;
	[tilespmem:$0x100] =	vst v63  }
.LBB2_5:
0x19: {  	s15 =	sadd.s32 $0x800, s11  }
0x1a: {  	p2 =	sgt.s32 s15, $0xFFF  }
0x1b: {  	s15 =	smov.u32 @p2 s3;
	p2 =	sne.s32 s12, s9  }
.Ltmp1:
0x1c: {  	p1 =	slt.u32 s12, $0x2;
	(pc) =	sbr.rel @!p2 .LBB2_6-.Ltmp1, $4  }
0x1d: {  	s14 =	simm.s32 @!p1 $0x3  }
0x1e: {  	s16 =	sadd.s32 $0x1, s12;
	_ =	swait.ge @!p1 [sflag:s14], $0x40  }
0x1f: {  	s13 =	smov.u32 s11;
	p0 =	por !p0, !p0;
	[sflag:s14] =	ssyncset.done @!p1 $0x0  }
0x20: {  	s12 =	smov.u32 s16;
	s11 =	smov.u32 s15;
	[sflag:s14] =	ssyncadd.s32 @!p1 $0xFFFFFFC0  }
.LBB2_1:
0x21: {  	p1 =	sge.u32 s12, s8  }
0x22: {  	s14 =	sxor.u32 @!p1 $0xFFFFFFFF, s12  }
0x23: {  	s31 =	sadd.s32 $0xFFFFFFFF, s12;
	s15 =	sshrl.u32 @!p1 s11, $0x3;
	s14 =	sshll.u32 @!p1 s14, $0x6  }
0x24: {  	s16 =	sand.u32 @!p1 $0x7, s11;
	s15 =	sadd.s32 @!p1 s5, s15;
	s14 =	sand.u32 @!p1 $0x40, s14  }
0x25: {  	[tilespmem:s14], [sflag:$0x2] =	stream.linear.gather @!p1 [hbm4b:s15+s16], $0x40, $0x38;
	[tilespmem:$0x100] =	vst v63  }
0x26: {  	p1 =	sge.u32 s31, s8  }
.Ltmp2:
0x27: {  	_ = 	snop;
	(pc) =	sbr.rel @p1 .LBB2_5-.Ltmp2, $1  }
0x28: {  	_ =	sdelay $0x3  }
0x29: {  	s14 =	simm.s32 $0x1  }
0x2a: {  	_ =	swait.ge [sflag:s7], $0x40;
	s14 =	simm.s32 @!p0 $0x0  }
0x2b: {  	[sflag:s7] =	ssyncset.done $0x0;
	s14 =	sshll.u32 s14, $0x6  }
0x2c: {  	[sflag:s7] =	ssyncadd.s32 $0xFFFFFFC0;
	(ifvalue) =	ssetifvalue $0x7FFFFFFF;
	v0 =	vld.msk [tilespmem:s14+$0x0 ss:$0x1], $0xffff;
	_ =	sdelay $0x4  }
0x2d: {  	s15 =	sadd.s32 $0x10, s14;
	vm1 =	vgt.s32 v0, $0x0  }
0x2e: {  	v2 =	vld.msk [tilespmem:s15+$0x0 ss:$0x1], $0xffff;
	v1 =	vnsel vm1, $0x0, v0  }
0x2f: {  	v1 =	vmin.u32 v1, $0xFFF;
	_ =	sdelay $0x1  }
0x30: {  	s16 =	sshll.u32 s12, $0x6;
	s18 =	simm.s32 $0x20  }
0x31: {  	s16 =	sand.u32 $0x40, s16;
	s17 =	sadd.s32 $0x10, s15;
	s15 =	sor.u32 $0x80, s14  }
0x32: {  	s14 =	sor.u32 $0x80, s16;
	s16 =	sadd.s32 $0x10, s15;
	v0 =	vld.msk [tilespmem:s17+$0x0 ss:$0x1], $0xffff;
	vm1 =	vgt.s32 v2, $0x0;
	(ifvalue) =	ssetifvalue $0x7FFFFFFF  }
.LBB2_3:
0x33: {  	[tilespmem:s15], [sflag:$0x1] =	stream.indirect_vreg.gather [hbm4b:s4+s10], $0x1, v1, vm0, $0x4038;
	[tilespmem:$0x100] =	vst v63  }
0x34: {  	s18 =	sadd.s32 $0x10, s18  }
0x35: {  	v2 =	vnsel vm1, $0x0, v2;
	p1 =	slt.u32 s18, $0x30  }
.Ltmp3:
0x36: {  	s15 =	smov.u32 s16;
	v1 =	vmin.u32 v2, $0xFFF;
	(pc) =	sbr.rel @p1 .LBB2_3-.Ltmp3, $3  }
0x37: {  	_ =	sdelay $0x1  }
0x38: {  	s17 =	sadd.s32 $0x10, s17  }
0x39: {  	vm1 =	vgt.s32 v0, $0x0;
	s16 =	sadd.s32 $0x10, s16;
	v2 =	vmov v0;
	(ifvalue) =	ssetifvalue $0x7FFFFFFF;
	v0 =	vld.msk [tilespmem:s17+$0x0 ss:$0x1], $0xffff  }
.Ltmp4:
0x3a: {  	_ = 	snop;
	(pc) =	sbr.rel .LBB2_4-.Ltmp4, $1  }
0x3b: {  	_ =	sdelay $0x3  }
.LBB2_6:
0x3c: {  	_ =	sfence.sel $0x180000  }
0x3d: {  	s2 =	simm.s32 $0x2;
	[bflag:$0x0] =	sbarrier.arrive $0xFFFF  }
0x3e: {  	s30 =	simm.s32 $0x3;
	[sflag:s2] =	ssyncpa.u1 $0x1  }
0x3f: {  	s31 =	simm.s32 $0x1;
	[sflag:s30] =	ssyncpa.u1 $0x1  }
0x40: {  	[sflag:s31] =	ssyncpa.u1 $0x1  }
0x41: {  	p0 =	sne.s32 s0, $0x0;
	_ =	strace $0x9000004D  }
0x42: {  	s0 =	sadd.s32 @!p0 $0x100000, s1;
	[bflag:$0x2] =	sbarrier.arrive $0xFFFF  }
0x43: {  	[sflag:s0] =	ssyncadd.tile.s32 @!p0 $0x1;
	_ =	shalt  }
.Lfunc_end2:
_tile_overlayer_lowered:
.L_overlay_start_2:
0x44: {  	(tag) =	ssettag $0x2  }
0x45: {  	s0 =	rddreg [dreg:$0x0];
	s2 =	stileid.u32  }
0x46: {  	s1 =	rddreg [dreg:$0x1];
	p0 =	sne.s32 s2, $0x0  }
0x47: {  	s3 =	rddreg [dreg:$0x2];
	[bflag:$0x3] =	sbarrier.arrive $0xFFFF;
	s2 =	simm.s32 @!p0 $0x1C01  }
0x48: {  	[timem:s3], [sflag:s2] =	dma.local @!p0 [hbm:s0], s1  }
0x49: {  	s0 =	simm.s32 @!p0 $0x1  }
0x4a: {  	_ =	swait.ge @!p0 [sflag:s0], s1  }
0x4b: {  	s1 =	ssub.s32 @!p0 $0x0, s1;
	[sflag:s0] =	ssyncset.done @!p0 $0x0  }
0x4c: {  	[sflag:s0] =	ssyncadd.s32 @!p0 s1  }
0x4d: {  	[bflag:$0x3] =	sbarrier.arrive $0xFFFF  }
0x4e: {  	_ =	shalt  }

// kernel: gather_offload_async_start
scs
__scs_entry_jumppad:
0x0: {  	(pc) =	sbr.rel $0x88, $3  }
0x1: {  	(tag) =	ssettag $0x0;
	lr =	simm.s32 $0x1  }
0x2: {  	[smem:$0x3F9C] =	sst lr;
	_ =	strace $0xD0000000  }
0x3: {  	_ = 	snop  }
0x4: {  	_ = 	snop  }
0x5: {  	_ = 	snop  }
0x6: {  	_ = 	snop  }
0x7: {  	_ = 	snop  }
__scs_overlays_trampoline_lowered:
0x8: {  	[smem:$0x3FAB] =	sst s0  }
0x9: {  	[smem:$0x3FAC] =	sst s1  }
0xa: {  	[smem:$0x3FAD] =	sst s2  }
0xb: {  	[smem:$0x3FAE] =	sst s3  }
0xc: {  	[smem:$0x3FAF] =	sst s4  }
0xd: {  	[smem:$0x3FB0] =	sst s5  }
0xe: {  	[smem:$0x3FB1] =	sst s6  }
0xf: {  	[smem:$0x3FB2] =	sst s7  }
0x10: {  	[smem:$0x3FB3] =	sst s8  }
0x11: {  	[smem:$0x3FB4] =	sst s9;
	s0 =	simm.s32 @!p0 $0x0  }
0x12: {  	s1 =	sld [smem:$0x3F9A];
	s0 =	simm.s32 @p0 $0x1  }
0x13: {  	[smem:$0x3FB5] =	sst s0;
	s0 =	simm.s32 @!p1 $0x0  }
0x14: {  	s2 =	sld [smem:$0x3F99];
	s0 =	simm.s32 @p1 $0x1  }
0x15: {  	[smem:$0x3FB6] =	sst s0;
	s0 =	simm.s32 @!p2 $0x0  }
0x16: {  	s3 =	sld [smem:$0x3FDB];
	s0 =	simm.s32 @p2 $0x1  }
0x17: {  	s4 =	simm.s32 $0x1BF5;
	[smem:$0x3FB8] =	sst s0  }
0x18: {  	s0 =	sld [smem:$0x3F9B];
	_ =	swait.ge [sflag:s4], $0x0  }
0x19: {  	s7 =	sld [smem:$0x3F9C]  }
0x1a: {  	s8 =	sadd.s32 $0xFFFFE003, lr  }
0x1b: {  	s9 =	sadd.s32 $0xFFFFFEF7, lr;
	s5 =	simm.s32 $0xFFFFFFFF;
	p2 =	slt.u32 s8, $0xFFFFF086  }
0x1c: {  	p1 =	slt.u32 s9, $0xF7A;
	s5 =	simm.s32 @!p2 $0x0  }
0x1d: {  	s5 =	simm.s32 @p1 $0x1;
	p0 =	seq.s32 s7, s2  }
0x1e: {  	s7 =	smul.u32 @!p0 $0xF7A, s2;
	p2 =	seq.s32 @!p0 s5, $0x0  }
0x1f: {  	s9 =	smul.u32 $0xF7A, s1;
	s8 =	simm.s32 @!p0 $0x1BF5;
	p2 =	por !p2, p0  }
0x20: {  	[sflag:s8] =	ssyncset.s32 @!p0 $0xFFFFF086;
	s6 =	sadd.s32 @!p0 s3, s7;
	s7 =	simm.s32 @!p0 $0x108  }
0x21: {  	s3 =	sadd.s32 s3, s9;
	s6 =	sadd.s32 @!p0 $0x88, s6;
	s7 =	simm.s32 @p2 $0x1082  }
0x22: {  	[simem:s7], [sflag:s8] =	dma.local @!p0 [hbm:s6], $0xF7A  }
0x23: {  	s9 =	sor.u32 $0xD0000000, s2;
	s6 =	simm.s32 $0x108;
	_ =	swait.ge @!p0 [sflag:s8], $0x0  }
0x24: {  	s3 =	sadd.s32 $0x88, s3;
	s6 =	simm.s32 @!p1 $0x1082;
	[sflag:s4] =	ssyncset.s32 $0xFFFFF086  }
0x25: {  	[simem:s6], [sflag:s4] =	dma.local [hbm:s3], $0xF7A  }
0x26: {  	[smem:$0x3F9C] =	sst s1;
	(tag) =	ssettag s2;
	_ =	strace s9  }
0x27: {  	s1 =	sld [smem:$0x3FAC]  }
0x28: {  	s2 =	sld [smem:$0x3FAD]  }
0x29: {  	s4 =	sld [smem:$0x3FAF]  }
0x2a: {  	p0 =	seq.s32 s5, $0x0;
	s5 =	sld [smem:$0x3FB0]  }
0x2b: {  	s6 =	sld [smem:$0x3FB1]  }
0x2c: {  	s7 =	sld [smem:$0x3FB2]  }
0x2d: {  	s3 =	simm.s32 $0x108;
	s8 =	sld [smem:$0x3FB3]  }
0x2e: {  	s3 =	simm.s32 @!p0 $0x1082;
	s9 =	sld [smem:$0x3FB4]  }
0x2f: {  	lr =	sadd.s32 s0, s3;
	s0 =	sld [smem:$0x3FAB]  }
0x30: {  	s3 =	sld [smem:$0x3FAE]  }
0x31: {  	[smem:$0x3FB7] =	sst s10  }
0x32: {  	s10 =	sld [smem:$0x3FB5];
	_ =	sdelay $0x3  }
0x33: {  	p0 =	seq.s32 s10, $0x1;
	s10 =	sld [smem:$0x3FB7];
	_ =	sdelay $0x3  }
0x34: {  	[smem:$0x3FB7] =	sst s10  }
0x35: {  	s10 =	sld [smem:$0x3FB6];
	_ =	sdelay $0x3  }
0x36: {  	p1 =	seq.s32 s10, $0x1;
	s10 =	sld [smem:$0x3FB7];
	_ =	sdelay $0x3  }
0x37: {  	[smem:$0x3FB7] =	sst s10  }
0x38: {  	s10 =	sld [smem:$0x3FB8]  }
0x39: {  	_ = 	snop;
	(pc) =	sbr.ind lr, $3  }
0x3a: {  	_ = 	snop  }
0x3b: {  	_ = 	snop  }
0x3c: {  	p2 =	seq.s32 s10, $0x1;
	s10 =	sld [smem:$0x3FB7]  }
0x3d: {  	_ =	shalt  }
0x3e: {  	_ =	shalt  }
0x3f: {  	_ =	shalt  }
0x40: {  	_ =	shalt  }
0x41: {  	_ =	shalt  }
0x42: {  	_ =	shalt  }
0x43: {  	_ =	shalt  }
0x44: {  	_ =	shalt  }
0x45: {  	_ =	shalt  }
0x46: {  	_ =	shalt  }
0x47: {  	_ =	shalt  }
0x48: {  	_ =	shalt  }
0x49: {  	_ =	shalt  }
0x4a: {  	_ =	shalt  }
0x4b: {  	_ =	shalt  }
0x4c: {  	_ =	shalt  }
0x4d: {  	_ =	shalt  }
0x4e: {  	_ =	shalt  }
0x4f: {  	_ =	shalt  }
0x50: {  	_ =	shalt  }
0x51: {  	_ =	shalt  }
0x52: {  	_ =	shalt  }
0x53: {  	_ =	shalt  }
0x54: {  	_ =	shalt  }
0x55: {  	_ =	shalt  }
0x56: {  	_ =	shalt  }
0x57: {  	_ =	shalt  }
0x58: {  	_ =	shalt  }
0x59: {  	_ =	shalt  }
0x5a: {  	_ =	shalt  }
0x5b: {  	_ =	shalt  }
0x5c: {  	_ =	shalt  }
0x5d: {  	_ =	shalt  }
0x5e: {  	_ =	shalt  }
0x5f: {  	_ =	shalt  }
0x60: {  	_ =	shalt  }
0x61: {  	_ =	shalt  }
0x62: {  	_ =	shalt  }
0x63: {  	_ =	shalt  }
0x64: {  	_ =	shalt  }
0x65: {  	_ =	shalt  }
0x66: {  	_ =	shalt  }
0x67: {  	_ =	shalt  }
0x68: {  	_ =	shalt  }
0x69: {  	_ =	shalt  }
0x6a: {  	_ =	shalt  }
0x6b: {  	_ =	shalt  }
0x6c: {  	_ =	shalt  }
0x6d: {  	_ =	shalt  }
0x6e: {  	_ =	shalt  }
0x6f: {  	_ =	shalt  }
0x70: {  	_ =	shalt  }
0x71: {  	_ =	shalt  }
0x72: {  	_ =	shalt  }
0x73: {  	_ =	shalt  }
0x74: {  	_ =	shalt  }
0x75: {  	_ =	shalt  }
0x76: {  	_ =	shalt  }
0x77: {  	_ =	shalt  }
0x78: {  	_ =	shalt  }
0x79: {  	_ =	shalt  }
0x7a: {  	_ =	shalt  }
0x7b: {  	_ =	shalt  }
0x7c: {  	_ =	shalt  }
0x7d: {  	_ =	shalt  }
0x7e: {  	_ =	shalt  }
0x7f: {  	_ =	shalt  }
0x80: {  	_ =	shalt  }
0x81: {  	_ =	shalt  }
0x82: {  	_ =	shalt  }
0x83: {  	_ =	shalt  }
0x84: {  	_ =	shalt  }
0x85: {  	_ =	shalt  }
0x86: {  	_ =	shalt  }
0x87: {  	_ =	shalt  }
.Lfunc_end0:
.L_simem_size_0:
called_computation.1_lowered:
.L_overlay_start_0:
0x88: {  	s2 =	sld [smem:$0x3FD9]  }
0x89: {  	s3 =	sld [smem:$0x3FFE];
	_ =	sdelay $0x1  }
0x8a: {  	s1 =	srdreg.scid  }
0x8b: {  	s0 =	sand.u32 $0x1, s1  }
0x8c: {  	s14 =	sshll.u32 s0, $0xA;
	s2 =	sadd.s32 s3, s2  }
0x8d: {  	s2 =	sadd.s32 s2, s14  }
0x8e: {  	[smem:$0x3FC3] =	sst s2  }
0x8f: {  	_ = 	snop  }
0x90: {  	s2 =	sld [smem:$0x3FD0];
	_ =	sdelay $0x2  }
0x91: {  	s15 =	simm.s32 $0xA;
	s4 =	simm.s32 $0x10  }
0x92: {  	[smem:s4], [sflag:s15] =	dma.local [hbm:s2], $0x1  }
0x93: {  	_ =	swait.eq [sflag:s15], $0x1  }
0x94: {  	[sflag:s15] =	ssyncset.done $0x0  }
0x95: {  	[sflag:s15] =	ssyncadd.s32 $0xFFFFFFFF  }
0x96: {  	s16 =	sld [smem:$0x10];
	(tm) =	ssettm $0x1  }
0x97: {  	s17 =	sld [smem:$0x3FFB];
	_ =	sdelay $0x3  }
0x98: {  	_ =	strace s17  }
0x99: {  	s3 =	sld [smem:$0x3FFC];
	_ =	sdelay $0x3  }
0x9a: {  	_ =	strace s3  }
0x9b: {  	s3 =	sld [smem:$0x3FFD];
	_ =	sdelay $0x3  }
0x9c: {  	_ =	strace s3  }
0x9d: {  	_ =	strace $0x8FFFFFFF  }
0x9e: {  	s18 =	sld [smem:$0x3FDB];
	_ =	sdelay $0x1  }
0x9f: {  	s19 =	simm.s32 $_scs_section_size  }
0xa0: {  	s5 =	simm.s32 $_size__tile_overlayer_lowered;
	s6 =	simm.s32 $_tile_overlayer_lowered  }
0xa1: {  	s22 =	simm.s32 $0x1BFF;
	s21 =	sshll.u32 s6, $0x1;
	s3 =	sadd.s32 s19, s18  }
0xa2: {  	s7 =	simm.s32 $0x0;
	s20 =	sshll.u32 s5, $0x1;
	s5 =	sadd.s32 s21, s3  }
0xa3: {  	[timem:s7], [sflag:s22] =	dma.local [hbm:s5], s20  }
0xa4: {  	_ =	swait.ge [sflag:s22], s20  }
0xa5: {  	s4 =	ssub.s32 $0x0, s20;
	[sflag:s22] =	ssyncset.done $0x0  }
0xa6: {  	[sflag:s22] =	ssyncadd.s32 s4;
	_ =	sdelay $0x1  }
0xa7: {  	s23 =	simm.s32 $0x1B8B  }
0xa8: {  	_ =	swait.ge [sflag:s23], $0x1  }
0xa9: {  	[sflag:s23] =	ssyncset.done $0x0  }
0xaa: {  	s25 =	simm.s32 $0x1B8E;
	s24 =	sld [smem:$0x3FFE];
	[sflag:s23] =	ssyncadd.s32 $0xFFFFFFFF  }
0xab: {  	s26 =	simm.s32 $execute0_lowered;
	[smem:$0x3FD2] =	sst s25  }
0xac: {  	s5 =	sshll.u32 s26, $0x1;
	_ =	strace $0x80000049;
	[dreg:$0x1] =	wrdreg $0xFFFFFFFF  }
0xad: {  	s28 =	simm.s32 $_size_execute0_lowered;
	s3 =	sadd.s32 s3, s5;
	[dreg:$0x0] =	wrdreg $0x0  }
0xae: {  	s5 =	sshll.u32 s28, $0x1;
	[dreg:$0x2] =	wrdreg s3  }
0xaf: {  	[dreg:$0x3] =	wrdreg s5  }
0xb0: {  	[dreg:$0x4] =	wrdreg $0xC0  }
0xb1: {  	_ =	task [dreg:s7], $0x5FFFF  }
0xb2: {  	[dreg:$0x1] =	wrdreg $0xFFFFFFFF  }
0xb3: {  	[dreg:$0x0] =	wrdreg $0x60  }
0xb4: {  	[dreg:$0x2] =	wrdreg s24  }
0xb5: {  	[dreg:$0x3] =	wrdreg s16  }
0xb6: {  	[dreg:$0x4] =	wrdreg $0x9  }
0xb7: {  	_ =	task.clear_ibuf [dreg:s7], $0x5FFFF;
	_ =	strace $0x90000049  }
0xb8: {  	s29 =	simm.s32 $0x9;
	_ =	strace $0x8000004B  }
0xb9: {  	_ =	swait.ge [sflag:s29], $0x1  }
0xba: {  	[sflag:s29] =	ssyncadd.s32 $0xFFFFFFFF  }
0xbb: {  	_ =	strace $0x9000004B  }
0xbc: {  	_ =	sfence  }
0xbd: {  	s30 =	sld [smem:$0x0];
	_ =	sdelay $0x2  }
0xbe: {  	s31 =	sshll.u32 s1, $0xD;
	s1 =	sshrl.u32 s1, $0x2  }
0xbf: {  	s3 =	sand.u32 $0x4000, s31;
	s1 =	sadd.s32 s1, s30  }
0xc0: {  	s0 =	sor.u32 s3, s0;
	s1 =	sshll.u32 s1, $0x11  }
0xc1: {  	s0 =	sor.u32 s1, s0  }
0xc2: {  	s0 =	sadd.s32 $0x8F2B, s0  }
0xc3: {  	[sflag:s0] =	ssyncadd.remote.s32 $0x1  }
0xc4: {  	_ =	sfence.sel $0xFFFF  }
0xc5: {  	[dreg:$0x0] =	wrdreg $0xFFFFFFFF;
	(pc) =	sbr.abs _section_cstart, $3  }
0xc6: {  	[dreg:$0x1] =	wrdreg $0xFFFFFFFF  }
0xc7: {  	_ =	task.clear_ibuf [dreg:s7], $0x2FFFF;
	_ =	strace $0x9FFFFFFF  }
0xc8: {  	(tm) =	ssettm $0x7FFFFFFF  }
0xc9: {  	_ =	shalt  }
tec
execute0_lowered:
.L_overlay_start_1:
0x0: {  	(tag) =	ssettag $0x1  }
0x1: {  	s1 =	srdreg.scid;
	s5 =	rddreg [dreg:$0x0]  }
0x2: {  	s0 =	stileid.u32;
	s2 =	rddreg [dreg:$0x1];
	s6 =	simm.s32 $0x1  }
0x3: {  	s9 =	simm.s32 $0x1;
	s10 =	simm.s32 $0x3;
	s1 =	sshll.u32 s1, $0x6  }
0x4: {  	s13 =	simm.s32 $0x0;
	s3 =	sshll.u32 s0, $0x7;
	s4 =	sand.u32 $0x40, s1  }
0x5: {  	s12 =	simm.s32 $0x0;
	s1 =	rddreg [dreg:$0x2];
	s3 =	sor.u32 s3, s4  }
0x6: {  	_ =	strace $0x8000004A;
	s4 =	sadd.s32 $0x400, s5;
	s8 =	ssub.s32 $0x1000, s3  }
.Ltmp0:
0x7: {  	s5 =	sadd.s32 $0x600, s5;
	s7 =	sand.u32 $0x7C0, s8;
	(pc) =	sbr.rel .LBB2_1-.Ltmp0, $4  }
0x8: {  	[sflag:s6] =	ssyncpa.u1 $0x0;
	s11 =	smov.u32 s3;
	p0 =	sne.s32 s7, $0x0  }
0x9: {  	s8 =	sshrl.u32 s8, $0xB;
	s7 =	simm.s32 $0x2;
	s9 =	simm.s32 @!p0 $0x0  }
0xa: {  	[sflag:s7] =	ssyncpa.u1 $0x0;
	p0 =	por $0x0, $0x0;
	s8 =	sadd.s32 s9, s8  }
0xb: {  	vm0 =	vmmov $0xffff;
	[sflag:s10] =	ssyncpa.u1 $0x0;
	s10 =	simm.s32 $0x0;
	s9 =	sadd.s32 $0x1, s8  }
.LBB2_4:
0xc: {  	v2 =	vnsel vm1, $0x0, v2  }
0xd: {  	vm1 =	vgt.s32 v0, $0x0;
	v2 =	vmin.u32 v2, $0xFFF  }
0xe: {  	v0 =	vnsel vm1, $0x0, v0  }
0xf: {  	v0 =	vmin.u32 v0, $0xFFF  }
0x10: {  	[tilespmem:s15], [sflag:$0x1] =	stream.indirect_vreg.gather [hbm4b:s4+s10], $0x1, v1, vm0, $0x4038;
	[tilespmem:$0x100] =	vst v63  }
0x11: {  	(ifvalue) =	ssetifvalue $0x7FFFFFFF  }
0x12: {  	[tilespmem:s16], [sflag:$0x1] =	stream.indirect_vreg.gather [hbm4b:s4+s10], $0x1, v2, vm0, $0x4038;
	[tilespmem:$0x100] =	vst v63  }
0x13: {  	s29 =	sadd.s32 $0x10, s16;
	(ifvalue) =	ssetifvalue $0x7FFFFFFF  }
0x14: {  	[tilespmem:s29], [sflag:$0x1] =	stream.indirect_vreg.gather [hbm4b:s4+s10], $0x1, v0, vm0, $0x4038;
	[tilespmem:$0x100] =	vst v63  }
0x15: {  	_ =	swait.ge [sflag:s6], $0x40  }
0x16: {  	s30 =	sshrl.u32 s13, $0x3;
	[sflag:s6] =	ssyncset.done $0x0  }
0x17: {  	s31 =	sand.u32 $0x7, s13;
	s15 =	sadd.s32 s2, s30;
	[sflag:s6] =	ssyncadd.s32 $0xFFFFFFC0  }
0x18: {  	[hbm4b:s15+s31] =	stream.linear.scatter [tilespmem:s14], [sflag:$0x3], $0x40, $0x38;
	[tilespmem:$0x100] =	vst v63  }
.LBB2_5:
0x19: {  	s15 =	sadd.s32 $0x800, s11  }
0x1a: {  	p2 =	sgt.s32 s15, $0xFFF  }
0x1b: {  	s15 =	smov.u32 @p2 s3;
	p2 =	sne.s32 s12, s9  }
.Ltmp1:
0x1c: {  	p1 =	slt.u32 s12, $0x2;
	(pc) =	sbr.rel @!p2 .LBB2_6-.Ltmp1, $4  }
0x1d: {  	s14 =	simm.s32 @!p1 $0x3  }
0x1e: {  	s16 =	sadd.s32 $0x1, s12;
	_ =	swait.ge @!p1 [sflag:s14], $0x40  }
0x1f: {  	s13 =	smov.u32 s11;
	p0 =	por !p0, !p0;
	[sflag:s14] =	ssyncset.done @!p1 $0x0  }
0x20: {  	s12 =	smov.u32 s16;
	s11 =	smov.u32 s15;
	[sflag:s14] =	ssyncadd.s32 @!p1 $0xFFFFFFC0  }
.LBB2_1:
0x21: {  	p1 =	sge.u32 s12, s8  }
0x22: {  	s14 =	sxor.u32 @!p1 $0xFFFFFFFF, s12  }
0x23: {  	s31 =	sadd.s32 $0xFFFFFFFF, s12;
	s15 =	sshrl.u32 @!p1 s11, $0x3;
	s14 =	sshll.u32 @!p1 s14, $0x6  }
0x24: {  	s16 =	sand.u32 @!p1 $0x7, s11;
	s15 =	sadd.s32 @!p1 s5, s15;
	s14 =	sand.u32 @!p1 $0x40, s14  }
0x25: {  	[tilespmem:s14], [sflag:$0x2] =	stream.linear.gather @!p1 [hbm4b:s15+s16], $0x40, $0x38;
	[tilespmem:$0x100] =	vst v63  }
0x26: {  	p1 =	sge.u32 s31, s8  }
.Ltmp2:
0x27: {  	_ = 	snop;
	(pc) =	sbr.rel @p1 .LBB2_5-.Ltmp2, $1  }
0x28: {  	_ =	sdelay $0x3  }
0x29: {  	s14 =	simm.s32 $0x1  }
0x2a: {  	_ =	swait.ge [sflag:s7], $0x40;
	s14 =	simm.s32 @!p0 $0x0  }
0x2b: {  	[sflag:s7] =	ssyncset.done $0x0;
	s14 =	sshll.u32 s14, $0x6  }
0x2c: {  	[sflag:s7] =	ssyncadd.s32 $0xFFFFFFC0;
	(ifvalue) =	ssetifvalue $0x7FFFFFFF;
	v0 =	vld.msk [tilespmem:s14+$0x0 ss:$0x1], $0xffff;
	_ =	sdelay $0x4  }
0x2d: {  	s15 =	sadd.s32 $0x10, s14;
	vm1 =	vgt.s32 v0, $0x0  }
0x2e: {  	v2 =	vld.msk [tilespmem:s15+$0x0 ss:$0x1], $0xffff;
	v1 =	vnsel vm1, $0x0, v0  }
0x2f: {  	v1 =	vmin.u32 v1, $0xFFF;
	_ =	sdelay $0x1  }
0x30: {  	s16 =	sshll.u32 s12, $0x6;
	s18 =	simm.s32 $0x20  }
0x31: {  	s16 =	sand.u32 $0x40, s16;
	s17 =	sadd.s32 $0x10, s15;
	s15 =	sor.u32 $0x80, s14  }
0x32: {  	s14 =	sor.u32 $0x80, s16;
	s16 =	sadd.s32 $0x10, s15;
	v0 =	vld.msk [tilespmem:s17+$0x0 ss:$0x1], $0xffff;
	vm1 =	vgt.s32 v2, $0x0;
	(ifvalue) =	ssetifvalue $0x7FFFFFFF  }
.LBB2_3:
0x33: {  	[tilespmem:s15], [sflag:$0x1] =	stream.indirect_vreg.gather [hbm4b:s4+s10], $0x1, v1, vm0, $0x4038;
	[tilespmem:$0x100] =	vst v63  }
0x34: {  	s18 =	sadd.s32 $0x10, s18  }
0x35: {  	v2 =	vnsel vm1, $0x0, v2;
	p1 =	slt.u32 s18, $0x30  }
.Ltmp3:
0x36: {  	s15 =	smov.u32 s16;
	v1 =	vmin.u32 v2, $0xFFF;
	(pc) =	sbr.rel @p1 .LBB2_3-.Ltmp3, $3  }
0x37: {  	_ =	sdelay $0x1  }
0x38: {  	s17 =	sadd.s32 $0x10, s17  }
0x39: {  	vm1 =	vgt.s32 v0, $0x0;
	s16 =	sadd.s32 $0x10, s16;
	v2 =	vmov v0;
	(ifvalue) =	ssetifvalue $0x7FFFFFFF;
	v0 =	vld.msk [tilespmem:s17+$0x0 ss:$0x1], $0xffff  }
.Ltmp4:
0x3a: {  	_ = 	snop;
	(pc) =	sbr.rel .LBB2_4-.Ltmp4, $1  }
0x3b: {  	_ =	sdelay $0x3  }
.LBB2_6:
0x3c: {  	_ =	sfence.sel $0x180000  }
0x3d: {  	s2 =	simm.s32 $0x2;
	[bflag:$0x0] =	sbarrier.arrive $0xFFFF  }
0x3e: {  	s30 =	simm.s32 $0x3;
	[sflag:s2] =	ssyncpa.u1 $0x1  }
0x3f: {  	s31 =	simm.s32 $0x1;
	[sflag:s30] =	ssyncpa.u1 $0x1  }
0x40: {  	[sflag:s31] =	ssyncpa.u1 $0x1  }
0x41: {  	p0 =	sne.s32 s0, $0x0;
	_ =	strace $0x9000004A  }
0x42: {  	s0 =	sadd.s32 @!p0 $0x100000, s1;
	[bflag:$0x2] =	sbarrier.arrive $0xFFFF  }
0x43: {  	[sflag:s0] =	ssyncadd.tile.s32 @!p0 $0x1;
	_ =	shalt  }
.Lfunc_end2:
_tile_overlayer_lowered:
.L_overlay_start_2:
0x44: {  	(tag) =	ssettag $0x2  }
0x45: {  	s0 =	rddreg [dreg:$0x0];
	s2 =	stileid.u32  }
0x46: {  	s1 =	rddreg [dreg:$0x1];
	p0 =	sne.s32 s2, $0x0  }
0x47: {  	s3 =	rddreg [dreg:$0x2];
	[bflag:$0x3] =	sbarrier.arrive $0xFFFF;
	s2 =	simm.s32 @!p0 $0x1C01  }
0x48: {  	[timem:s3], [sflag:s2] =	dma.local @!p0 [hbm:s0], s1  }
0x49: {  	s0 =	simm.s32 @!p0 $0x1  }
0x4a: {  	_ =	swait.ge @!p0 [sflag:s0], s1  }
0x4b: {  	s1 =	ssub.s32 @!p0 $0x0, s1;
	[sflag:s0] =	ssyncset.done @!p0 $0x0  }
0x4c: {  	[sflag:s0] =	ssyncadd.s32 @!p0 s1  }
0x4d: {  	[bflag:$0x3] =	sbarrier.arrive $0xFFFF  }
0x4e: {  	_ =	shalt  }

// kernel: scatter_offload_async_start
scs
__scs_entry_jumppad:
0x0: {  	(pc) =	sbr.rel $0x88, $3  }
0x1: {  	(tag) =	ssettag $0x0;
	lr =	simm.s32 $0x1  }
0x2: {  	[smem:$0x3F9C] =	sst lr;
	_ =	strace $0xD0000000  }
0x3: {  	_ = 	snop  }
0x4: {  	_ = 	snop  }
0x5: {  	_ = 	snop  }
0x6: {  	_ = 	snop  }
0x7: {  	_ = 	snop  }
__scs_overlays_trampoline_lowered:
0x8: {  	[smem:$0x3FAB] =	sst s0  }
0x9: {  	[smem:$0x3FAC] =	sst s1  }
0xa: {  	[smem:$0x3FAD] =	sst s2  }
0xb: {  	[smem:$0x3FAE] =	sst s3  }
0xc: {  	[smem:$0x3FAF] =	sst s4  }
0xd: {  	[smem:$0x3FB0] =	sst s5  }
0xe: {  	[smem:$0x3FB1] =	sst s6  }
0xf: {  	[smem:$0x3FB2] =	sst s7  }
0x10: {  	[smem:$0x3FB3] =	sst s8  }
0x11: {  	[smem:$0x3FB4] =	sst s9;
	s0 =	simm.s32 @!p0 $0x0  }
0x12: {  	s1 =	sld [smem:$0x3F9A];
	s0 =	simm.s32 @p0 $0x1  }
0x13: {  	[smem:$0x3FB5] =	sst s0;
	s0 =	simm.s32 @!p1 $0x0  }
0x14: {  	s2 =	sld [smem:$0x3F99];
	s0 =	simm.s32 @p1 $0x1  }
0x15: {  	[smem:$0x3FB6] =	sst s0;
	s0 =	simm.s32 @!p2 $0x0  }
0x16: {  	s3 =	sld [smem:$0x3FDB];
	s0 =	simm.s32 @p2 $0x1  }
0x17: {  	s4 =	simm.s32 $0x1BF5;
	[smem:$0x3FB8] =	sst s0  }
0x18: {  	s0 =	sld [smem:$0x3F9B];
	_ =	swait.ge [sflag:s4], $0x0  }
0x19: {  	s7 =	sld [smem:$0x3F9C]  }
0x1a: {  	s8 =	sadd.s32 $0xFFFFE003, lr  }
0x1b: {  	s9 =	sadd.s32 $0xFFFFFEF7, lr;
	s5 =	simm.s32 $0xFFFFFFFF;
	p2 =	slt.u32 s8, $0xFFFFF086  }
0x1c: {  	p1 =	slt.u32 s9, $0xF7A;
	s5 =	simm.s32 @!p2 $0x0  }
0x1d: {  	s5 =	simm.s32 @p1 $0x1;
	p0 =	seq.s32 s7, s2  }
0x1e: {  	s7 =	smul.u32 @!p0 $0xF7A, s2;
	p2 =	seq.s32 @!p0 s5, $0x0  }
0x1f: {  	s9 =	smul.u32 $0xF7A, s1;
	s8 =	simm.s32 @!p0 $0x1BF5;
	p2 =	por !p2, p0  }
0x20: {  	[sflag:s8] =	ssyncset.s32 @!p0 $0xFFFFF086;
	s6 =	sadd.s32 @!p0 s3, s7;
	s7 =	simm.s32 @!p0 $0x108  }
0x21: {  	s3 =	sadd.s32 s3, s9;
	s6 =	sadd.s32 @!p0 $0x88, s6;
	s7 =	simm.s32 @p2 $0x1082  }
0x22: {  	[simem:s7], [sflag:s8] =	dma.local @!p0 [hbm:s6], $0xF7A  }
0x23: {  	s9 =	sor.u32 $0xD0000000, s2;
	s6 =	simm.s32 $0x108;
	_ =	swait.ge @!p0 [sflag:s8], $0x0  }
0x24: {  	s3 =	sadd.s32 $0x88, s3;
	s6 =	simm.s32 @!p1 $0x1082;
	[sflag:s4] =	ssyncset.s32 $0xFFFFF086  }
0x25: {  	[simem:s6], [sflag:s4] =	dma.local [hbm:s3], $0xF7A  }
0x26: {  	[smem:$0x3F9C] =	sst s1;
	(tag) =	ssettag s2;
	_ =	strace s9  }
0x27: {  	s1 =	sld [smem:$0x3FAC]  }
0x28: {  	s2 =	sld [smem:$0x3FAD]  }
0x29: {  	s4 =	sld [smem:$0x3FAF]  }
0x2a: {  	p0 =	seq.s32 s5, $0x0;
	s5 =	sld [smem:$0x3FB0]  }
0x2b: {  	s6 =	sld [smem:$0x3FB1]  }
0x2c: {  	s7 =	sld [smem:$0x3FB2]  }
0x2d: {  	s3 =	simm.s32 $0x108;
	s8 =	sld [smem:$0x3FB3]  }
0x2e: {  	s3 =	simm.s32 @!p0 $0x1082;
	s9 =	sld [smem:$0x3FB4]  }
0x2f: {  	lr =	sadd.s32 s0, s3;
	s0 =	sld [smem:$0x3FAB]  }
0x30: {  	s3 =	sld [smem:$0x3FAE]  }
0x31: {  	[smem:$0x3FB7] =	sst s10  }
0x32: {  	s10 =	sld [smem:$0x3FB5];
	_ =	sdelay $0x3  }
0x33: {  	p0 =	seq.s32 s10, $0x1;
	s10 =	sld [smem:$0x3FB7];
	_ =	sdelay $0x3  }
0x34: {  	[smem:$0x3FB7] =	sst s10  }
0x35: {  	s10 =	sld [smem:$0x3FB6];
	_ =	sdelay $0x3  }
0x36: {  	p1 =	seq.s32 s10, $0x1;
	s10 =	sld [smem:$0x3FB7];
	_ =	sdelay $0x3  }
0x37: {  	[smem:$0x3FB7] =	sst s10  }
0x38: {  	s10 =	sld [smem:$0x3FB8]  }
0x39: {  	_ = 	snop;
	(pc) =	sbr.ind lr, $3  }
0x3a: {  	_ = 	snop  }
0x3b: {  	_ = 	snop  }
0x3c: {  	p2 =	seq.s32 s10, $0x1;
	s10 =	sld [smem:$0x3FB7]  }
0x3d: {  	_ =	shalt  }
0x3e: {  	_ =	shalt  }
0x3f: {  	_ =	shalt  }
0x40: {  	_ =	shalt  }
0x41: {  	_ =	shalt  }
0x42: {  	_ =	shalt  }
0x43: {  	_ =	shalt  }
0x44: {  	_ =	shalt  }
0x45: {  	_ =	shalt  }
0x46: {  	_ =	shalt  }
0x47: {  	_ =	shalt  }
0x48: {  	_ =	shalt  }
0x49: {  	_ =	shalt  }
0x4a: {  	_ =	shalt  }
0x4b: {  	_ =	shalt  }
0x4c: {  	_ =	shalt  }
0x4d: {  	_ =	shalt  }
0x4e: {  	_ =	shalt  }
0x4f: {  	_ =	shalt  }
0x50: {  	_ =	shalt  }
0x51: {  	_ =	shalt  }
0x52: {  	_ =	shalt  }
0x53: {  	_ =	shalt  }
0x54: {  	_ =	shalt  }
0x55: {  	_ =	shalt  }
0x56: {  	_ =	shalt  }
0x57: {  	_ =	shalt  }
0x58: {  	_ =	shalt  }
0x59: {  	_ =	shalt  }
0x5a: {  	_ =	shalt  }
0x5b: {  	_ =	shalt  }
0x5c: {  	_ =	shalt  }
0x5d: {  	_ =	shalt  }
0x5e: {  	_ =	shalt  }
0x5f: {  	_ =	shalt  }
0x60: {  	_ =	shalt  }
0x61: {  	_ =	shalt  }
0x62: {  	_ =	shalt  }
0x63: {  	_ =	shalt  }
0x64: {  	_ =	shalt  }
0x65: {  	_ =	shalt  }
0x66: {  	_ =	shalt  }
0x67: {  	_ =	shalt  }
0x68: {  	_ =	shalt  }
0x69: {  	_ =	shalt  }
0x6a: {  	_ =	shalt  }
0x6b: {  	_ =	shalt  }
0x6c: {  	_ =	shalt  }
0x6d: {  	_ =	shalt  }
0x6e: {  	_ =	shalt  }
0x6f: {  	_ =	shalt  }
0x70: {  	_ =	shalt  }
0x71: {  	_ =	shalt  }
0x72: {  	_ =	shalt  }
0x73: {  	_ =	shalt  }
0x74: {  	_ =	shalt  }
0x75: {  	_ =	shalt  }
0x76: {  	_ =	shalt  }
0x77: {  	_ =	shalt  }
0x78: {  	_ =	shalt  }
0x79: {  	_ =	shalt  }
0x7a: {  	_ =	shalt  }
0x7b: {  	_ =	shalt  }
0x7c: {  	_ =	shalt  }
0x7d: {  	_ =	shalt  }
0x7e: {  	_ =	shalt  }
0x7f: {  	_ =	shalt  }
0x80: {  	_ =	shalt  }
0x81: {  	_ =	shalt  }
0x82: {  	_ =	shalt  }
0x83: {  	_ =	shalt  }
0x84: {  	_ =	shalt  }
0x85: {  	_ =	shalt  }
0x86: {  	_ =	shalt  }
0x87: {  	_ =	shalt  }
.Lfunc_end0:
.L_simem_size_0:
called_computation_lowered:
.L_overlay_start_0:
0x88: {  	s0 =	sld [smem:$0x3FD9]  }
0x89: {  	s1 =	sld [smem:$0x3FFE];
	_ =	sdelay $0x3  }
0x8a: {  	s0 =	sadd.s32 s1, s0  }
0x8b: {  	[smem:$0x3FC3] =	sst s0  }
0x8c: {  	_ = 	snop  }
0x8d: {  	s0 =	sld [smem:$0x3FD0];
	_ =	sdelay $0x2  }
0x8e: {  	s13 =	simm.s32 $0xA;
	s2 =	simm.s32 $0x10  }
0x8f: {  	[smem:s2], [sflag:s13] =	dma.local [hbm:s0], $0x1  }
0x90: {  	_ =	swait.eq [sflag:s13], $0x1  }
0x91: {  	[sflag:s13] =	ssyncset.done $0x0  }
0x92: {  	[sflag:s13] =	ssyncadd.s32 $0xFFFFFFFF  }
0x93: {  	s14 =	sld [smem:$0x10];
	(tm) =	ssettm $0x1  }
0x94: {  	s15 =	sld [smem:$0x3FFB];
	_ =	sdelay $0x3  }
0x95: {  	_ =	strace s15  }
0x96: {  	s1 =	sld [smem:$0x3FFC];
	_ =	sdelay $0x3  }
0x97: {  	_ =	strace s1  }
0x98: {  	s1 =	sld [smem:$0x3FFD];
	_ =	sdelay $0x3  }
0x99: {  	_ =	strace s1  }
0x9a: {  	_ =	strace $0x8FFFFFFF  }
0x9b: {  	s16 =	sld [smem:$0x3FDB];
	_ =	sdelay $0x1  }
0x9c: {  	s17 =	simm.s32 $_scs_section_size  }
0x9d: {  	s3 =	simm.s32 $_size__tile_overlayer_lowered;
	s4 =	simm.s32 $_tile_overlayer_lowered  }
0x9e: {  	s20 =	simm.s32 $0x1BFF;
	s19 =	sshll.u32 s4, $0x1;
	s1 =	sadd.s32 s17, s16  }
0x9f: {  	s5 =	simm.s32 $0x0;
	s18 =	sshll.u32 s3, $0x1;
	s3 =	sadd.s32 s19, s1  }
0xa0: {  	[timem:s5], [sflag:s20] =	dma.local [hbm:s3], s18  }
0xa1: {  	_ =	swait.ge [sflag:s20], s18  }
0xa2: {  	s2 =	ssub.s32 $0x0, s18;
	[sflag:s20] =	ssyncset.done $0x0  }
0xa3: {  	[sflag:s20] =	ssyncadd.s32 s2;
	_ =	sdelay $0x1  }
0xa4: {  	s21 =	simm.s32 $0x1B8B  }
0xa5: {  	_ =	swait.ge [sflag:s21], $0x1  }
0xa6: {  	[sflag:s21] =	ssyncset.done $0x0  }
0xa7: {  	s23 =	simm.s32 $0x1B8E;
	s22 =	sld [smem:$0x3FFE];
	[sflag:s21] =	ssyncadd.s32 $0xFFFFFFFF  }
0xa8: {  	s24 =	simm.s32 $execute0_lowered;
	[smem:$0x3FD2] =	sst s23  }
0xa9: {  	s3 =	sshll.u32 s24, $0x1;
	_ =	strace $0x80000046;
	[dreg:$0x1] =	wrdreg $0xFFFFFFFF  }
0xaa: {  	s25 =	simm.s32 $_size_execute0_lowered;
	s1 =	sadd.s32 s1, s3;
	[dreg:$0x0] =	wrdreg $0x0  }
0xab: {  	s3 =	sshll.u32 s25, $0x1;
	[dreg:$0x2] =	wrdreg s1  }
0xac: {  	[dreg:$0x3] =	wrdreg s3  }
0xad: {  	[dreg:$0x4] =	wrdreg $0xC0  }
0xae: {  	_ =	task [dreg:s5], $0x5FFFF  }
0xaf: {  	[dreg:$0x1] =	wrdreg $0xFFFFFFFF  }
0xb0: {  	[dreg:$0x0] =	wrdreg $0x60  }
0xb1: {  	[dreg:$0x2] =	wrdreg s22  }
0xb2: {  	[dreg:$0x3] =	wrdreg s14  }
0xb3: {  	[dreg:$0x4] =	wrdreg $0x9  }
0xb4: {  	_ =	task.clear_ibuf [dreg:s5], $0x5FFFF;
	_ =	strace $0x90000046  }
0xb5: {  	s26 =	simm.s32 $0x9;
	_ =	strace $0x80000048  }
0xb6: {  	_ =	swait.ge [sflag:s26], $0x1  }
0xb7: {  	[sflag:s26] =	ssyncadd.s32 $0xFFFFFFFF  }
0xb8: {  	_ =	strace $0x90000048  }
0xb9: {  	_ =	sfence  }
0xba: {  	s28 =	sld [smem:$0x0];
	_ =	sdelay $0x1  }
0xbb: {  	s29 =	srdreg.scid  }
0xbc: {  	s30 =	sshll.u32 s29, $0xD;
	s31 =	sshrl.u32 s29, $0x2  }
0xbd: {  	s2 =	sand.u32 $0x4000, s30;
	s1 =	sand.u32 $0x1, s29;
	s0 =	sadd.s32 s31, s28  }
0xbe: {  	s1 =	sor.u32 s2, s1;
	s0 =	sshll.u32 s0, $0x11  }
0xbf: {  	s0 =	sor.u32 s0, s1  }
0xc0: {  	s0 =	sadd.s32 $0x8F2B, s0  }
0xc1: {  	[sflag:s0] =	ssyncadd.remote.s32 $0x1  }
0xc2: {  	_ =	sfence.sel $0xFFFF  }
0xc3: {  	[dreg:$0x0] =	wrdreg $0xFFFFFFFF;
	(pc) =	sbr.abs _section_cstart, $3  }
0xc4: {  	[dreg:$0x1] =	wrdreg $0xFFFFFFFF  }
0xc5: {  	_ =	task.clear_ibuf [dreg:s5], $0x2FFFF;
	_ =	strace $0x9FFFFFFF  }
0xc6: {  	(tm) =	ssettm $0x7FFFFFFF  }
0xc7: {  	_ =	shalt  }
tec
execute0_lowered:
.L_overlay_start_1:
0x0: {  	(tag) =	ssettag $0x1  }
0x1: {  	s5 =	rddreg [dreg:$0x0]  }
0x2: {  	s6 =	rddreg [dreg:$0x1]  }
0x3: {  	s0 =	rddreg [dreg:$0x2];
	_ =	strace $0x80000047;
	s7 =	stileid.u32  }
0x4: {  	s3 =	simm.s32 $0x3E;
	s1 =	sadd.s32 $0x200C00, s5;
	p0 =	sne.s32 s7, $0x0  }
0x5: {  	[sflag:s3] =	ssyncpa.u1 $0x0;
	s4 =	simm.s32 @!p0 $0x1C3E;
	s2 =	simm.s32 @!p0 $0x0  }
0x6: {  	[spmem:s2], [sflag:s4] =	dma.local @!p0 [hbm:s1], $0x10  }
0x7: {  	s4 =	simm.s32 @!p0 $0x3E  }
0x8: {  	_ =	swait.ge @!p0 [sflag:s4], $0x10  }
0x9: {  	[sflag:s4] =	ssyncset.done @!p0 $0x0  }
0xa: {  	[sflag:s4] =	ssyncadd.s32 @!p0 $0xFFFFFFF0  }
0xb: {  	s9 =	simm.s32 $0x108;
	s8 =	sadd.s32 $0x200A00, s5;
	[bflag:$0x0] =	sbarrier.arrive $0xFFFF  }
0xc: {  	s7 =	sshll.u32 s7, $0x5;
	[sflag:s3] =	ssyncpa.u1 $0x1;
	s3 =	simm.s32 $0x1  }
0xd: {  	s5 =	simm.s32 $0x0;
	s4 =	simm.s32 $0x2;
	[sflag:s3] =	ssyncpa.u1 $0x0  }
0xe: {  	s6 =	sadd.s32 s6, s7;
	(ifvalue) =	ssetifvalue $0x80;
	[sflag:s4] =	ssyncpa.u1 $0x0  }
0xf: {  	[tilespmem:s9], [sflag:$0x2] =	stream.linear.gather [hbm4b:s6+s5], $0x100, $0x38;
	[tilespmem:$0x408] =	vst v63  }
0x10: {  	s23 =	simm.s32 $0x308;
	s22 =	sadd.s32 s8, s7  }
0x11: {  	[tilespmem:s23], [sflag:$0x2] =	stream.linear.gather [hbm4b:s22+s5], $0x100, $0x38;
	[tilespmem:$0x408] =	vst v63  }
0x12: {  	_ =	swait.ge [sflag:s4], $0x200  }
0x13: {  	[sflag:s4] =	ssyncset.done $0x0  }
0x14: {  	[sflag:s4] =	ssyncadd.s32 $0xFFFFFE00  }
0x15: {  	v0 =	vld.msk [tilespmem:s9+$0x0 ss:$0x1], $0xffff;
	_ =	sdelay $0x4  }
0x16: {  	v0 =	vmin.u32 v0, $0x80;
	_ =	sdelay $0x3  }
0x17: {  	vm0 =	vmmov $0xffff;
	s24 =	simm.s32 $0x118  }
0x18: {  	[spmem:s5] =	stream.indirect_vreg.scatter.add.s32 [tilespmem:s23], [sflag:$0x1], $0x1, v0, vm0, $0x4038;
	[tilespmem:$0x408] =	vst v63  }
0x19: {  	v0 =	vld.msk [tilespmem:s24+$0x0 ss:$0x1], $0xffff;
	_ =	sdelay $0x4  }
0x1a: {  	v0 =	vmin.u32 v0, $0x80;
	_ =	sdelay $0x3  }
0x1b: {  	s25 =	simm.s32 $0x318;
	s26 =	simm.s32 $0x128  }
0x1c: {  	[spmem:s5] =	stream.indirect_vreg.scatter.add.s32 [tilespmem:s25], [sflag:$0x1], $0x1, v0, vm0, $0x4038;
	[tilespmem:$0x408] =	vst v63  }
0x1d: {  	v0 =	vld.msk [tilespmem:s26+$0x0 ss:$0x1], $0xffff;
	_ =	sdelay $0x4  }
0x1e: {  	v0 =	vmin.u32 v0, $0x80;
	_ =	sdelay $0x3  }
0x1f: {  	s28 =	simm.s32 $0x328;
	s29 =	simm.s32 $0x138  }
0x20: {  	[spmem:s5] =	stream.indirect_vreg.scatter.add.s32 [tilespmem:s28], [sflag:$0x1], $0x1, v0, vm0, $0x4038;
	[tilespmem:$0x408] =	vst v63  }
0x21: {  	v0 =	vld.msk [tilespmem:s29+$0x0 ss:$0x1], $0xffff;
	_ =	sdelay $0x4  }
0x22: {  	v0 =	vmin.u32 v0, $0x80;
	_ =	sdelay $0x3  }
0x23: {  	s30 =	simm.s32 $0x338;
	s31 =	simm.s32 $0x148  }
0x24: {  	[spmem:s5] =	stream.indirect_vreg.scatter.add.s32 [tilespmem:s30], [sflag:$0x1], $0x1, v0, vm0, $0x4038;
	[tilespmem:$0x408] =	vst v63  }
0x25: {  	v0 =	vld.msk [tilespmem:s31+$0x0 ss:$0x1], $0xffff;
	_ =	sdelay $0x4  }
0x26: {  	v0 =	vmin.u32 v0, $0x80;
	_ =	sdelay $0x3  }
0x27: {  	s7 =	simm.s32 $0x348;
	s8 =	simm.s32 $0x158  }
0x28: {  	[spmem:s5] =	stream.indirect_vreg.scatter.add.s32 [tilespmem:s7], [sflag:$0x1], $0x1, v0, vm0, $0x4038;
	[tilespmem:$0x408] =	vst v63  }
0x29: {  	v0 =	vld.msk [tilespmem:s8+$0x0 ss:$0x1], $0xffff;
	_ =	sdelay $0x4  }
0x2a: {  	v0 =	vmin.u32 v0, $0x80;
	_ =	sdelay $0x3  }
0x2b: {  	s10 =	simm.s32 $0x168;
	s9 =	simm.s32 $0x358  }
0x2c: {  	[spmem:s5] =	stream.indirect_vreg.scatter.add.s32 [tilespmem:s9], [sflag:$0x1], $0x1, v0, vm0, $0x4038;
	[tilespmem:$0x408] =	vst v63  }
0x2d: {  	v0 =	vld.msk [tilespmem:s10+$0x0 ss:$0x1], $0xffff;
	_ =	sdelay $0x4  }
0x2e: {  	v0 =	vmin.u32 v0, $0x80;
	_ =	sdelay $0x3  }
0x2f: {  	s11 =	simm.s32 $0x368;
	s12 =	simm.s32 $0x178  }
0x30: {  	[spmem:s5] =	stream.indirect_vreg.scatter.add.s32 [tilespmem:s11], [sflag:$0x1], $0x1, v0, vm0, $0x4038;
	[tilespmem:$0x408] =	vst v63  }
0x31: {  	v0 =	vld.msk [tilespmem:s12+$0x0 ss:$0x1], $0xffff;
	_ =	sdelay $0x4  }
0x32: {  	v0 =	vmin.u32 v0, $0x80;
	_ =	sdelay $0x3  }
0x33: {  	s13 =	simm.s32 $0x378;
	s14 =	simm.s32 $0x188  }
0x34: {  	[spmem:s5] =	stream.indirect_vreg.scatter.add.s32 [tilespmem:s13], [sflag:$0x1], $0x1, v0, vm0, $0x4038;
	[tilespmem:$0x408] =	vst v63  }
0x35: {  	v0 =	vld.msk [tilespmem:s14+$0x0 ss:$0x1], $0xffff;
	_ =	sdelay $0x4  }
0x36: {  	v0 =	vmin.u32 v0, $0x80;
	_ =	sdelay $0x3  }
0x37: {  	s15 =	simm.s32 $0x388;
	s16 =	simm.s32 $0x198  }
0x38: {  	[spmem:s5] =	stream.indirect_vreg.scatter.add.s32 [tilespmem:s15], [sflag:$0x1], $0x1, v0, vm0, $0x4038;
	[tilespmem:$0x408] =	vst v63  }
0x39: {  	v0 =	vld.msk [tilespmem:s16+$0x0 ss:$0x1], $0xffff;
	_ =	sdelay $0x4  }
0x3a: {  	v0 =	vmin.u32 v0, $0x80;
	_ =	sdelay $0x3  }
0x3b: {  	s17 =	simm.s32 $0x398;
	s18 =	simm.s32 $0x1A8  }
0x3c: {  	[spmem:s5] =	stream.indirect_vreg.scatter.add.s32 [tilespmem:s17], [sflag:$0x1], $0x1, v0, vm0, $0x4038;
	[tilespmem:$0x408] =	vst v63  }
0x3d: {  	v0 =	vld.msk [tilespmem:s18+$0x0 ss:$0x1], $0xffff;
	_ =	sdelay $0x4  }
0x3e: {  	v0 =	vmin.u32 v0, $0x80;
	_ =	sdelay $0x3  }
0x3f: {  	s19 =	simm.s32 $0x3A8;
	s20 =	simm.s32 $0x1B8  }
0x40: {  	[spmem:s5] =	stream.indirect_vreg.scatter.add.s32 [tilespmem:s19], [sflag:$0x1], $0x1, v0, vm0, $0x4038;
	[tilespmem:$0x408] =	vst v63  }
0x41: {  	v0 =	vld.msk [tilespmem:s20+$0x0 ss:$0x1], $0xffff;
	_ =	sdelay $0x4  }
0x42: {  	v0 =	vmin.u32 v0, $0x80;
	_ =	sdelay $0x3  }
0x43: {  	s21 =	simm.s32 $0x3B8;
	s22 =	simm.s32 $0x1C8  }
0x44: {  	[spmem:s5] =	stream.indirect_vreg.scatter.add.s32 [tilespmem:s21], [sflag:$0x1], $0x1, v0, vm0, $0x4038;
	[tilespmem:$0x408] =	vst v63  }
0x45: {  	v0 =	vld.msk [tilespmem:s22+$0x0 ss:$0x1], $0xffff;
	_ =	sdelay $0x4  }
0x46: {  	v0 =	vmin.u32 v0, $0x80;
	_ =	sdelay $0x3  }
0x47: {  	s23 =	simm.s32 $0x3C8;
	s24 =	simm.s32 $0x1D8  }
0x48: {  	[spmem:s5] =	stream.indirect_vreg.scatter.add.s32 [tilespmem:s23], [sflag:$0x1], $0x1, v0, vm0, $0x4038;
	[tilespmem:$0x408] =	vst v63  }
0x49: {  	v0 =	vld.msk [tilespmem:s24+$0x0 ss:$0x1], $0xffff;
	_ =	sdelay $0x4  }
0x4a: {  	v0 =	vmin.u32 v0, $0x80;
	_ =	sdelay $0x3  }
0x4b: {  	s25 =	simm.s32 $0x3D8;
	s26 =	simm.s32 $0x1E8  }
0x4c: {  	[spmem:s5] =	stream.indirect_vreg.scatter.add.s32 [tilespmem:s25], [sflag:$0x1], $0x1, v0, vm0, $0x4038;
	[tilespmem:$0x408] =	vst v63  }
0x4d: {  	v0 =	vld.msk [tilespmem:s26+$0x0 ss:$0x1], $0xffff;
	_ =	sdelay $0x4  }
0x4e: {  	v0 =	vmin.u32 v0, $0x80;
	_ =	sdelay $0x3  }
0x4f: {  	s28 =	simm.s32 $0x3E8;
	s29 =	simm.s32 $0x1F8  }
0x50: {  	[spmem:s5] =	stream.indirect_vreg.scatter.add.s32 [tilespmem:s28], [sflag:$0x1], $0x1, v0, vm0, $0x4038;
	[tilespmem:$0x408] =	vst v63  }
0x51: {  	v0 =	vld.msk [tilespmem:s29+$0x0 ss:$0x1], $0xffff;
	_ =	sdelay $0x4  }
0x52: {  	v0 =	vmin.u32 v0, $0x80;
	_ =	sdelay $0x3  }
0x53: {  	s30 =	simm.s32 $0x3F8  }
0x54: {  	[spmem:s5] =	stream.indirect_vreg.scatter.add.s32 [tilespmem:s30], [sflag:$0x1], $0x1, v0, vm0, $0x4038;
	[tilespmem:$0x408] =	vst v63  }
0x55: {  	_ =	swait.ge [sflag:s3], $0x100  }
0x56: {  	[sflag:s3] =	ssyncset.done $0x0  }
0x57: {  	[sflag:s3] =	ssyncadd.s32 $0xFFFFFF00  }
0x58: {  	_ =	sfence.sel $0x180000  }
0x59: {  	[bflag:$0x0] =	sbarrier.arrive $0xFFFF  }
0x5a: {  	[sflag:s4] =	ssyncpa.u1 $0x1  }
0x5b: {  	[sflag:s3] =	ssyncpa.u1 $0x1  }
0x5c: {  	_ =	sfence.stream.spmem  }
0x5d: {  	s31 =	simm.s32 $0x3D;
	[bflag:$0x0] =	sbarrier.arrive $0xFFFF  }
0x5e: {  	s3 =	simm.s32 @p0 $0x3D;
	[sflag:s31] =	ssyncpa.u1 $0x0  }
0x5f: {  	[sflag:s3] =	ssyncpa.u1 @p0 $0x1  }
0x60: {  	[bflag:$0x0] =	sbarrier.arrive @p0 $0xFFFF  }
0x61: {  	_ =	strace @p0 $0x90000047  }
0x62: {  	s3 =	simm.s32 @!p0 $0x1C3D;
	[bflag:$0x2] =	sbarrier.arrive @p0 $0xFFFF  }
0x63: {  	[hbm:s1], [sflag:s3] =	dma.local @!p0 [spmem:s2], $0x10  }
0x64: {  	s1 =	simm.s32 @!p0 $0x3D  }
0x65: {  	_ =	swait.ge @!p0 [sflag:s1], $0x10  }
0x66: {  	[sflag:s1] =	ssyncset.done @!p0 $0x0  }
0x67: {  	[sflag:s1] =	ssyncadd.s32 @!p0 $0xFFFFFFF0  }
0x68: {  	[sflag:s1] =	ssyncpa.u1 @!p0 $0x1  }
0x69: {  	[bflag:$0x0] =	sbarrier.arrive @!p0 $0xFFFF  }
0x6a: {  	_ =	strace @!p0 $0x90000047  }
0x6b: {  	s0 =	sadd.s32 @!p0 $0x100000, s0;
	[bflag:$0x2] =	sbarrier.arrive @!p0 $0xFFFF  }
0x6c: {  	[sflag:s0] =	ssyncadd.tile.s32 @!p0 $0x1;
	_ =	shalt  }
.Lfunc_end2:
_tile_overlayer_lowered:
.L_overlay_start_2:
0x6d: {  	(tag) =	ssettag $0x2  }
0x6e: {  	s0 =	rddreg [dreg:$0x0];
	s2 =	stileid.u32  }
0x6f: {  	s1 =	rddreg [dreg:$0x1];
	p0 =	sne.s32 s2, $0x0  }
0x70: {  	s3 =	rddreg [dreg:$0x2];
	[bflag:$0x3] =	sbarrier.arrive $0xFFFF;
	s2 =	simm.s32 @!p0 $0x1C01  }
0x71: {  	[timem:s3], [sflag:s2] =	dma.local @!p0 [hbm:s0], s1  }
0x72: {  	s0 =	simm.s32 @!p0 $0x1  }
0x73: {  	_ =	swait.ge @!p0 [sflag:s0], s1  }
0x74: {  	s1 =	ssub.s32 @!p0 $0x0, s1;
	[sflag:s0] =	ssyncset.done @!p0 $0x0  }
0x75: {  	[sflag:s0] =	ssyncadd.s32 @!p0 s1  }
0x76: {  	[bflag:$0x3] =	sbarrier.arrive $0xFFFF  }
0x77: {  	_ =	shalt  }

</sc_bundles>
